<compile_context>
chip_gen: v7x
topology: tpu7x:2x2x1
jax: 0.10.2.dev20260603
libtpu: 0.0.44.dev20260713+nightly
codegen_flags: <defaults>
</compile_context>

<pallas_src>
import jax
import jax.numpy as jnp
from jax import lax
from jax.experimental import pallas as pl
from jax.experimental.pallas import tpu as pltpu
from jax.experimental.pallas import tpu_sc as plsc

_NC = 2
_NS = 16
_NW = _NC * _NS

_B = 4096
_L = 50
_E = 64
_T = _B * _L
_CS = 128
_CH = _T // (_NW * _CS)


def _emb_body(src_idx, tgt_idx, src_tab, tgt_tab, src_out, tgt_out,
              idxs, idxt, s0, s1):
    wid = lax.axis_index("s") * _NC + lax.axis_index("c")
    r0 = wid * (_CH * _CS)

    pltpu.sync_copy(src_idx.at[wid], idxs)
    pltpu.sync_copy(tgt_idx.at[wid], idxt)

    def scoped(buf0, buf1):
        def run_table(tab, out, idxv):
            def gather(i, buf, sem):
                pltpu.async_copy(tab.at[idxv.at[i]], buf, sem)

            def writeback(i, buf, sem):
                pltpu.make_async_copy(tab.at[idxv.at[i]], buf, sem).wait()
                pltpu.sync_copy(buf, out.at[pl.ds(r0 + i * _CS, _CS)])

            gather(0, buf0, s0)

            @pl.loop(0, _CH, step=2)
            def _pair(i):
                gather(i + 1, buf1, s1)
                writeback(i, buf0, s0)

                @pl.when(i + 2 < _CH)
                def _():
                    gather(i + 2, buf0, s0)

                writeback(i + 1, buf1, s1)

        run_table(src_tab, src_out, idxs)
        run_table(tgt_tab, tgt_out, idxt)

    pl.run_scoped(
        scoped,
        pltpu.VMEM((_CS, _E), jnp.float32),
        pltpu.VMEM((_CS, _E), jnp.float32),
    )


@jax.jit
def _emb(src_idx, tgt_idx, src_table, tgt_table):
    mesh = plsc.VectorSubcoreMesh(core_axis_name="c", subcore_axis_name="s")
    out_type = (jax.ShapeDtypeStruct((_T, _E), jnp.float32),
                jax.ShapeDtypeStruct((_T, _E), jnp.float32))
    scratch = [
        pltpu.VMEM((_CH, _CS), jnp.int32),
        pltpu.VMEM((_CH, _CS), jnp.int32),
        pltpu.SemaphoreType.DMA,
        pltpu.SemaphoreType.DMA,
    ]
    fn = pl.kernel(
        _emb_body, out_type=out_type, mesh=mesh, scratch_types=scratch,
        compiler_params=pltpu.CompilerParams(use_tc_tiling_on_sc=False),
    )
    src_flat, tgt_flat = fn(src_idx, tgt_idx, src_table, tgt_table)
    return (src_flat.reshape(_B, _L, _E), tgt_flat.reshape(_B, _L, _E))


def kernel(src_tokens, tgt_tokens, src_table, tgt_table):
    return _emb(src_tokens.astype(jnp.int32).reshape(_NW, _CH, _CS),
                tgt_tokens.astype(jnp.int32).reshape(_NW, _CH, _CS),
                src_table, tgt_table)

# --- scband reference (transcript-rebuilt; emitter-appended) ---
"""Pipeline reference for scband-model-embedding-19602230739195 (READ-ONLY COPY).

The authoritative reference and input builder live on the scoring server;
editing this copy changes nothing except your own understanding.
"""

import jax, jax.numpy as jnp
import numpy as np

EMBED_SIZE = 64
SRC_VOCAB = 100000
TGT_VOCAB = 100000
PAD_IDX = 0
B = 4096
L = 50


def setup_inputs(seed: int = 0) -> dict:
    key = jax.random.key(seed)
    k1, k2, k3, k4 = jax.random.split(key, 4)
    src_tokens = jax.random.randint(k1, (B, L), 0, SRC_VOCAB)
    tgt_tokens = jax.random.randint(k2, (B, L), 0, TGT_VOCAB)
    # learned embedding tables (nn.Embedding weights); padding row zeroed like torch
    src_table = jax.random.normal(k3, (SRC_VOCAB, EMBED_SIZE), dtype=jnp.float32)
    tgt_table = jax.random.normal(k4, (TGT_VOCAB, EMBED_SIZE), dtype=jnp.float32)
    src_table = src_table.at[PAD_IDX].set(0.0)
    tgt_table = tgt_table.at[PAD_IDX].set(0.0)
    return {
        "src_tokens": src_tokens,
        "tgt_tokens": tgt_tokens,
        "src_table": src_table,
        "tgt_table": tgt_table,
    }


def reference(src_tokens, tgt_tokens, src_table, tgt_table):
    # ModelEmbedding: two nn.Embedding lookups (src and tgt), padding_idx rows are zero
    src_emb = jnp.take(src_table, src_tokens, axis=0)
    tgt_emb = jnp.take(tgt_table, tgt_tokens, axis=0)
    return (src_emb, tgt_emb)

if __name__ == "__main__":
    import jax
    _d = setup_inputs()
    print(jax.jit(kernel)(*tuple(_d.values())))

</pallas_src>

<mosaic_0001>
#map = affine_map<(d0, d1) -> (0, 0, 0)>
#map1 = affine_map<(d0, d1) -> (0, 0)>
module attributes {stable_mosaic.version = 14 : i64} {
  func.func @_emb_body(%arg0: i32, %arg1: i32, %arg2: memref<32x50x128xi32, #tpu.memory_space<hbm>>, %arg3: memref<32x50x128xi32, #tpu.memory_space<hbm>>, %arg4: memref<100000x64xf32, #tpu.memory_space<hbm>>, %arg5: memref<100000x64xf32, #tpu.memory_space<hbm>>, %arg6: memref<204800x64xf32, #tpu.memory_space<hbm>>, %arg7: memref<204800x64xf32, #tpu.memory_space<hbm>>, %arg8: memref<50x128xi32, #tpu.memory_space<vmem>>, %arg9: memref<50x128xi32, #tpu.memory_space<vmem>>, %arg10: memref<!tpu.dma_semaphore, #tpu.memory_space<semaphore_mem>>, %arg11: memref<!tpu.dma_semaphore, #tpu.memory_space<semaphore_mem>>) attributes {dimension_semantics = [#tpu.dimension_semantics<core_parallel>, #tpu.dimension_semantics<subcore_parallel>], iteration_bounds = array<i64: 2, 16>, scalar_prefetch = 0 : i64, scratch_operands = 4 : i64, tpu.core_type = #tpu.core_type<sc_vector_subcore>, window_params = [{transform_indices = #map}, {transform_indices = #map}, {transform_indices = #map1}, {transform_indices = #map1}, {transform_indices = #map1}, {transform_indices = #map1}]} {
    %mul3A = arith.constant 2 : i32
    %mul3A_0 = arith.muli %arg1, %mul3A : i32
    %add3A = arith.addi %mul3A_0, %arg0 : i32
    %mul3A_1 = arith.constant 6400 : i32
    %mul3A_2 = arith.muli %add3A, %mul3A_1 : i32
    "tpu.region"() ({
      %run_scoped3A = tpu.sem_alloc : memref<!tpu.dma_semaphore, #tpu.memory_space<semaphore_mem>>
      %dma_start3A = arith.constant 0 : i32
      %dma_start3A_3 = arith.constant 0 : i32
      %dma_start3A_4 = tpu.memref_slice %arg2[%add3A, %dma_start3A, %dma_start3A_3] : memref<32x50x128xi32, #tpu.memory_space<hbm>> -> memref<1x50x128xi32, #tpu.memory_space<hbm>>
      %dma_start3A_5 = tpu.memref_squeeze %dma_start3A_4 : memref<1x50x128xi32, #tpu.memory_space<hbm>> -> memref<50x128xi32, #tpu.memory_space<hbm>>
      %dma_start3A_6 = arith.constant 0 : i32
      %dma_start3A_7 = arith.constant 0 : i32
      %dma_start3A_8 = tpu.memref_slice %arg2[%add3A, %dma_start3A_6, %dma_start3A_7] : memref<32x50x128xi32, #tpu.memory_space<hbm>> -> memref<1x50x128xi32, #tpu.memory_space<hbm>>
      %dma_start3A_9 = tpu.memref_squeeze %dma_start3A_8 : memref<1x50x128xi32, #tpu.memory_space<hbm>> -> memref<50x128xi32, #tpu.memory_space<hbm>>
      tpu.enqueue_dma source(%dma_start3A_9 : memref<50x128xi32, #tpu.memory_space<hbm>>) target(%arg8 : memref<50x128xi32, #tpu.memory_space<vmem>>) target_semaphore(%run_scoped3A : memref<!tpu.dma_semaphore, #tpu.memory_space<semaphore_mem>>)
      %dma_wait3A = arith.constant 0 : i32
      %dma_wait3A_10 = arith.constant 0 : i32
      %dma_wait3A_11 = tpu.memref_slice %arg2[%add3A, %dma_wait3A, %dma_wait3A_10] : memref<32x50x128xi32, #tpu.memory_space<hbm>> -> memref<1x50x128xi32, #tpu.memory_space<hbm>>
      %dma_wait3A_12 = tpu.memref_squeeze %dma_wait3A_11 : memref<1x50x128xi32, #tpu.memory_space<hbm>> -> memref<50x128xi32, #tpu.memory_space<hbm>>
      %dma_wait3A_13 = arith.constant 0 : i32
      %dma_wait3A_14 = arith.constant 0 : i32
      %dma_wait3A_15 = tpu.memref_slice %arg2[%add3A, %dma_wait3A_13, %dma_wait3A_14] : memref<32x50x128xi32, #tpu.memory_space<hbm>> -> memref<1x50x128xi32, #tpu.memory_space<hbm>>
      %dma_wait3A_16 = tpu.memref_squeeze %dma_wait3A_15 : memref<1x50x128xi32, #tpu.memory_space<hbm>> -> memref<50x128xi32, #tpu.memory_space<hbm>>
      tpu.wait_dma2 semaphore(%run_scoped3A : memref<!tpu.dma_semaphore, #tpu.memory_space<semaphore_mem>>) src(%dma_wait3A_16 : memref<50x128xi32, #tpu.memory_space<hbm>>) dst(%arg8 : memref<50x128xi32, #tpu.memory_space<vmem>>)
      tpu.yield
    }) : () -> ()
    "tpu.region"() ({
      %run_scoped3A = tpu.sem_alloc : memref<!tpu.dma_semaphore, #tpu.memory_space<semaphore_mem>>
      %dma_start3A = arith.constant 0 : i32
      %dma_start3A_3 = arith.constant 0 : i32
      %dma_start3A_4 = tpu.memref_slice %arg3[%add3A, %dma_start3A, %dma_start3A_3] : memref<32x50x128xi32, #tpu.memory_space<hbm>> -> memref<1x50x128xi32, #tpu.memory_space<hbm>>
      %dma_start3A_5 = tpu.memref_squeeze %dma_start3A_4 : memref<1x50x128xi32, #tpu.memory_space<hbm>> -> memref<50x128xi32, #tpu.memory_space<hbm>>
      %dma_start3A_6 = arith.constant 0 : i32
      %dma_start3A_7 = arith.constant 0 : i32
      %dma_start3A_8 = tpu.memref_slice %arg3[%add3A, %dma_start3A_6, %dma_start3A_7] : memref<32x50x128xi32, #tpu.memory_space<hbm>> -> memref<1x50x128xi32, #tpu.memory_space<hbm>>
      %dma_start3A_9 = tpu.memref_squeeze %dma_start3A_8 : memref<1x50x128xi32, #tpu.memory_space<hbm>> -> memref<50x128xi32, #tpu.memory_space<hbm>>
      tpu.enqueue_dma source(%dma_start3A_9 : memref<50x128xi32, #tpu.memory_space<hbm>>) target(%arg9 : memref<50x128xi32, #tpu.memory_space<vmem>>) target_semaphore(%run_scoped3A : memref<!tpu.dma_semaphore, #tpu.memory_space<semaphore_mem>>)
      %dma_wait3A = arith.constant 0 : i32
      %dma_wait3A_10 = arith.constant 0 : i32
      %dma_wait3A_11 = tpu.memref_slice %arg3[%add3A, %dma_wait3A, %dma_wait3A_10] : memref<32x50x128xi32, #tpu.memory_space<hbm>> -> memref<1x50x128xi32, #tpu.memory_space<hbm>>
      %dma_wait3A_12 = tpu.memref_squeeze %dma_wait3A_11 : memref<1x50x128xi32, #tpu.memory_space<hbm>> -> memref<50x128xi32, #tpu.memory_space<hbm>>
      %dma_wait3A_13 = arith.constant 0 : i32
      %dma_wait3A_14 = arith.constant 0 : i32
      %dma_wait3A_15 = tpu.memref_slice %arg3[%add3A, %dma_wait3A_13, %dma_wait3A_14] : memref<32x50x128xi32, #tpu.memory_space<hbm>> -> memref<1x50x128xi32, #tpu.memory_space<hbm>>
      %dma_wait3A_16 = tpu.memref_squeeze %dma_wait3A_15 : memref<1x50x128xi32, #tpu.memory_space<hbm>> -> memref<50x128xi32, #tpu.memory_space<hbm>>
      tpu.wait_dma2 semaphore(%run_scoped3A : memref<!tpu.dma_semaphore, #tpu.memory_space<semaphore_mem>>) src(%dma_wait3A_16 : memref<50x128xi32, #tpu.memory_space<hbm>>) dst(%arg9 : memref<50x128xi32, #tpu.memory_space<vmem>>)
      tpu.yield
    }) : () -> ()
    "tpu.region"() ({
      %run_scoped3A = memref.alloca() : memref<128x64xf32, #tpu.memory_space<vmem>>
      %run_scoped3A_3 = memref.alloca() : memref<128x64xf32, #tpu.memory_space<vmem>>
      %dma_start3A = arith.constant 0 : i32
      %dma_start3A_4 = arith.constant 0 : i32
      %dma_start3A_5 = tpu.memref_slice %arg8[%dma_start3A, %dma_start3A_4] : memref<50x128xi32, #tpu.memory_space<vmem>> -> memref<1x128xi32, #tpu.memory_space<vmem>>
      %dma_start3A_6 = tpu.memref_squeeze %dma_start3A_5 : memref<1x128xi32, #tpu.memory_space<vmem>> -> memref<128xi32, #tpu.memory_space<vmem>>
      %dma_start3A_7 = arith.constant 0 : i32
      %dma_start3A_8 = arith.constant 0 : i32
      %dma_start3A_9 = tpu.memref_slice %arg4[%dma_start3A_7, %dma_start3A_8] : memref<100000x64xf32, #tpu.memory_space<hbm>> -> memref<100000x64xf32, #tpu.memory_space<hbm>>
      tpu.enqueue_indirect_dma source(%dma_start3A_9 : memref<100000x64xf32, #tpu.memory_space<hbm>>) target(%run_scoped3A : memref<128x64xf32, #tpu.memory_space<vmem>>) offsets(%dma_start3A_6 : memref<128xi32, #tpu.memory_space<vmem>>) semaphore(%arg10 : memref<!tpu.dma_semaphore, #tpu.memory_space<semaphore_mem>>)
      %scan3A = arith.constant 0 : i32
      %scan3A_10 = arith.constant 25 : i32
      %scan3A_11 = arith.addi %scan3A, %scan3A_10 : i32
      %scan3A_12 = arith.constant 1 : i32
      scf.for %scan3A_26 = %scan3A to %scan3A_11 step %scan3A_12  : i32 {
        %mul3A_27 = arith.constant 2 : i32
        %mul3A_28 = arith.muli %scan3A_26, %mul3A_27 : i32
        %add3A_29 = arith.constant 0 : i32
        %add3A_30 = arith.addi %add3A_29, %mul3A_28 : i32
        %add3A_31 = arith.constant 1 : i32
        %add3A_32 = arith.addi %add3A_30, %add3A_31 : i32
        %dma_start3A_33 = arith.constant 0 : i32
        %dma_start3A_34 = tpu.memref_slice %arg8[%add3A_32, %dma_start3A_33] : memref<50x128xi32, #tpu.memory_space<vmem>> -> memref<1x128xi32, #tpu.memory_space<vmem>>
        %dma_start3A_35 = tpu.memref_squeeze %dma_start3A_34 : memref<1x128xi32, #tpu.memory_space<vmem>> -> memref<128xi32, #tpu.memory_space<vmem>>
        %dma_start3A_36 = arith.constant 0 : i32
        %dma_start3A_37 = arith.constant 0 : i32
        %dma_start3A_38 = tpu.memref_slice %arg4[%dma_start3A_36, %dma_start3A_37] : memref<100000x64xf32, #tpu.memory_space<hbm>> -> memref<100000x64xf32, #tpu.memory_space<hbm>>
        tpu.enqueue_indirect_dma source(%dma_start3A_38 : memref<100000x64xf32, #tpu.memory_space<hbm>>) target(%run_scoped3A_3 : memref<128x64xf32, #tpu.memory_space<vmem>>) offsets(%dma_start3A_35 : memref<128xi32, #tpu.memory_space<vmem>>) semaphore(%arg11 : memref<!tpu.dma_semaphore, #tpu.memory_space<semaphore_mem>>)
        %dma_wait3A = arith.constant 0 : i32
        %dma_wait3A_39 = tpu.memref_slice %arg8[%add3A_30, %dma_wait3A] : memref<50x128xi32, #tpu.memory_space<vmem>> -> memref<1x128xi32, #tpu.memory_space<vmem>>
        %dma_wait3A_40 = tpu.memref_squeeze %dma_wait3A_39 : memref<1x128xi32, #tpu.memory_space<vmem>> -> memref<128xi32, #tpu.memory_space<vmem>>
        %dma_wait3A_41 = arith.constant 0 : i32
        %dma_wait3A_42 = arith.constant 0 : i32
        %dma_wait3A_43 = tpu.memref_slice %arg4[%dma_wait3A_41, %dma_wait3A_42] : memref<100000x64xf32, #tpu.memory_space<hbm>> -> memref<100000x64xf32, #tpu.memory_space<hbm>>
        tpu.wait_indirect_dma semaphore(%arg10 : memref<!tpu.dma_semaphore, #tpu.memory_space<semaphore_mem>>) src(%dma_wait3A_43 : memref<100000x64xf32, #tpu.memory_space<hbm>>) dst(%run_scoped3A : memref<128x64xf32, #tpu.memory_space<vmem>>)
        %mul3A_44 = arith.constant 128 : i32
        %mul3A_45 = arith.muli %add3A_30, %mul3A_44 : i32
        %add3A_46 = arith.addi %mul3A_2, %mul3A_45 : i32
        "tpu.region"() ({
          %run_scoped3A_62 = tpu.sem_alloc : memref<!tpu.dma_semaphore, #tpu.memory_space<semaphore_mem>>
          %dma_start3A_63 = arith.constant 0 : i32
          %dma_start3A_64 = tpu.memref_slice %arg6[%add3A_46, %dma_start3A_63] : memref<204800x64xf32, #tpu.memory_space<hbm>> -> memref<128x64xf32, #tpu.memory_space<hbm>>
          %dma_start3A_65 = arith.constant 0 : i32
          %dma_start3A_66 = tpu.memref_slice %arg6[%add3A_46, %dma_start3A_65] : memref<204800x64xf32, #tpu.memory_space<hbm>> -> memref<128x64xf32, #tpu.memory_space<hbm>>
          tpu.enqueue_dma source(%run_scoped3A : memref<128x64xf32, #tpu.memory_space<vmem>>) target(%dma_start3A_66 : memref<128x64xf32, #tpu.memory_space<hbm>>) target_semaphore(%run_scoped3A_62 : memref<!tpu.dma_semaphore, #tpu.memory_space<semaphore_mem>>)
          %dma_wait3A_67 = arith.constant 0 : i32
          %dma_wait3A_68 = tpu.memref_slice %arg6[%add3A_46, %dma_wait3A_67] : memref<204800x64xf32, #tpu.memory_space<hbm>> -> memref<128x64xf32, #tpu.memory_space<hbm>>
          %dma_wait3A_69 = arith.constant 0 : i32
          %dma_wait3A_70 = tpu.memref_slice %arg6[%add3A_46, %dma_wait3A_69] : memref<204800x64xf32, #tpu.memory_space<hbm>> -> memref<128x64xf32, #tpu.memory_space<hbm>>
          tpu.wait_dma2 semaphore(%run_scoped3A_62 : memref<!tpu.dma_semaphore, #tpu.memory_space<semaphore_mem>>) src(%run_scoped3A : memref<128x64xf32, #tpu.memory_space<vmem>>) dst(%dma_wait3A_70 : memref<128x64xf32, #tpu.memory_space<hbm>>)
          tpu.yield
        }) : () -> ()
        %add3A_47 = arith.constant 2 : i32
        %add3A_48 = arith.addi %add3A_30, %add3A_47 : i32
        %lt3A = arith.constant 50 : i32
        %lt3A_49 = arith.cmpi slt, %add3A_48, %lt3A : i32
        %convert_element_type3A = arith.extui %lt3A_49 : i1 to i32
        %cond3A = arith.constant 0 : i32
        %cond3A_50 = arith.cmpi ne, %convert_element_type3A, %cond3A : i32
        scf.if %cond3A_50 {
          %add3A_62 = arith.constant 2 : i32
          %add3A_63 = arith.addi %add3A_30, %add3A_62 : i32
          %dma_start3A_64 = arith.constant 0 : i32
          %dma_start3A_65 = tpu.memref_slice %arg8[%add3A_63, %dma_start3A_64] : memref<50x128xi32, #tpu.memory_space<vmem>> -> memref<1x128xi32, #tpu.memory_space<vmem>>
          %dma_start3A_66 = tpu.memref_squeeze %dma_start3A_65 : memref<1x128xi32, #tpu.memory_space<vmem>> -> memref<128xi32, #tpu.memory_space<vmem>>
          %dma_start3A_67 = arith.constant 0 : i32
          %dma_start3A_68 = arith.constant 0 : i32
          %dma_start3A_69 = tpu.memref_slice %arg4[%dma_start3A_67, %dma_start3A_68] : memref<100000x64xf32, #tpu.memory_space<hbm>> -> memref<100000x64xf32, #tpu.memory_space<hbm>>
          tpu.enqueue_indirect_dma source(%dma_start3A_69 : memref<100000x64xf32, #tpu.memory_space<hbm>>) target(%run_scoped3A : memref<128x64xf32, #tpu.memory_space<vmem>>) offsets(%dma_start3A_66 : memref<128xi32, #tpu.memory_space<vmem>>) semaphore(%arg10 : memref<!tpu.dma_semaphore, #tpu.memory_space<semaphore_mem>>)
        } else {
        }
        %add3A_51 = arith.constant 1 : i32
        %add3A_52 = arith.addi %add3A_30, %add3A_51 : i32
        %dma_wait3A_53 = arith.constant 0 : i32
        %dma_wait3A_54 = tpu.memref_slice %arg8[%add3A_52, %dma_wait3A_53] : memref<50x128xi32, #tpu.memory_space<vmem>> -> memref<1x128xi32, #tpu.memory_space<vmem>>
        %dma_wait3A_55 = tpu.memref_squeeze %dma_wait3A_54 : memref<1x128xi32, #tpu.memory_space<vmem>> -> memref<128xi32, #tpu.memory_space<vmem>>
        %dma_wait3A_56 = arith.constant 0 : i32
        %dma_wait3A_57 = arith.constant 0 : i32
        %dma_wait3A_58 = tpu.memref_slice %arg4[%dma_wait3A_56, %dma_wait3A_57] : memref<100000x64xf32, #tpu.memory_space<hbm>> -> memref<100000x64xf32, #tpu.memory_space<hbm>>
        tpu.wait_indirect_dma semaphore(%arg11 : memref<!tpu.dma_semaphore, #tpu.memory_space<semaphore_mem>>) src(%dma_wait3A_58 : memref<100000x64xf32, #tpu.memory_space<hbm>>) dst(%run_scoped3A_3 : memref<128x64xf32, #tpu.memory_space<vmem>>)
        %mul3A_59 = arith.constant 128 : i32
        %mul3A_60 = arith.muli %add3A_52, %mul3A_59 : i32
        %add3A_61 = arith.addi %mul3A_2, %mul3A_60 : i32
        "tpu.region"() ({
          %run_scoped3A_62 = tpu.sem_alloc : memref<!tpu.dma_semaphore, #tpu.memory_space<semaphore_mem>>
          %dma_start3A_63 = arith.constant 0 : i32
          %dma_start3A_64 = tpu.memref_slice %arg6[%add3A_61, %dma_start3A_63] : memref<204800x64xf32, #tpu.memory_space<hbm>> -> memref<128x64xf32, #tpu.memory_space<hbm>>
          %dma_start3A_65 = arith.constant 0 : i32
          %dma_start3A_66 = tpu.memref_slice %arg6[%add3A_61, %dma_start3A_65] : memref<204800x64xf32, #tpu.memory_space<hbm>> -> memref<128x64xf32, #tpu.memory_space<hbm>>
          tpu.enqueue_dma source(%run_scoped3A_3 : memref<128x64xf32, #tpu.memory_space<vmem>>) target(%dma_start3A_66 : memref<128x64xf32, #tpu.memory_space<hbm>>) target_semaphore(%run_scoped3A_62 : memref<!tpu.dma_semaphore, #tpu.memory_space<semaphore_mem>>)
          %dma_wait3A_67 = arith.constant 0 : i32
          %dma_wait3A_68 = tpu.memref_slice %arg6[%add3A_61, %dma_wait3A_67] : memref<204800x64xf32, #tpu.memory_space<hbm>> -> memref<128x64xf32, #tpu.memory_space<hbm>>
          %dma_wait3A_69 = arith.constant 0 : i32
          %dma_wait3A_70 = tpu.memref_slice %arg6[%add3A_61, %dma_wait3A_69] : memref<204800x64xf32, #tpu.memory_space<hbm>> -> memref<128x64xf32, #tpu.memory_space<hbm>>
          tpu.wait_dma2 semaphore(%run_scoped3A_62 : memref<!tpu.dma_semaphore, #tpu.memory_space<semaphore_mem>>) src(%run_scoped3A_3 : memref<128x64xf32, #tpu.memory_space<vmem>>) dst(%dma_wait3A_70 : memref<128x64xf32, #tpu.memory_space<hbm>>)
          tpu.yield
        }) : () -> ()
      }
      %scan3A_13 = arith.constant 25 : i32
      %dma_start3A_14 = arith.constant 0 : i32
      %dma_start3A_15 = arith.constant 0 : i32
      %dma_start3A_16 = tpu.memref_slice %arg9[%dma_start3A_14, %dma_start3A_15] : memref<50x128xi32, #tpu.memory_space<vmem>> -> memref<1x128xi32, #tpu.memory_space<vmem>>
      %dma_start3A_17 = tpu.memref_squeeze %dma_start3A_16 : memref<1x128xi32, #tpu.memory_space<vmem>> -> memref<128xi32, #tpu.memory_space<vmem>>
      %dma_start3A_18 = arith.constant 0 : i32
      %dma_start3A_19 = arith.constant 0 : i32
      %dma_start3A_20 = tpu.memref_slice %arg5[%dma_start3A_18, %dma_start3A_19] : memref<100000x64xf32, #tpu.memory_space<hbm>> -> memref<100000x64xf32, #tpu.memory_space<hbm>>
      tpu.enqueue_indirect_dma source(%dma_start3A_20 : memref<100000x64xf32, #tpu.memory_space<hbm>>) target(%run_scoped3A : memref<128x64xf32, #tpu.memory_space<vmem>>) offsets(%dma_start3A_17 : memref<128xi32, #tpu.memory_space<vmem>>) semaphore(%arg10 : memref<!tpu.dma_semaphore, #tpu.memory_space<semaphore_mem>>)
      %scan3A_21 = arith.constant 0 : i32
      %scan3A_22 = arith.constant 25 : i32
      %scan3A_23 = arith.addi %scan3A_21, %scan3A_22 : i32
      %scan3A_24 = arith.constant 1 : i32
      scf.for %scan3A_26 = %scan3A_21 to %scan3A_23 step %scan3A_24  : i32 {
        %mul3A_27 = arith.constant 2 : i32
        %mul3A_28 = arith.muli %scan3A_26, %mul3A_27 : i32
        %add3A_29 = arith.constant 0 : i32
        %add3A_30 = arith.addi %add3A_29, %mul3A_28 : i32
        %add3A_31 = arith.constant 1 : i32
        %add3A_32 = arith.addi %add3A_30, %add3A_31 : i32
        %dma_start3A_33 = arith.constant 0 : i32
        %dma_start3A_34 = tpu.memref_slice %arg9[%add3A_32, %dma_start3A_33] : memref<50x128xi32, #tpu.memory_space<vmem>> -> memref<1x128xi32, #tpu.memory_space<vmem>>
        %dma_start3A_35 = tpu.memref_squeeze %dma_start3A_34 : memref<1x128xi32, #tpu.memory_space<vmem>> -> memref<128xi32, #tpu.memory_space<vmem>>
        %dma_start3A_36 = arith.constant 0 : i32
        %dma_start3A_37 = arith.constant 0 : i32
        %dma_start3A_38 = tpu.memref_slice %arg5[%dma_start3A_36, %dma_start3A_37] : memref<100000x64xf32, #tpu.memory_space<hbm>> -> memref<100000x64xf32, #tpu.memory_space<hbm>>
        tpu.enqueue_indirect_dma source(%dma_start3A_38 : memref<100000x64xf32, #tpu.memory_space<hbm>>) target(%run_scoped3A_3 : memref<128x64xf32, #tpu.memory_space<vmem>>) offsets(%dma_start3A_35 : memref<128xi32, #tpu.memory_space<vmem>>) semaphore(%arg11 : memref<!tpu.dma_semaphore, #tpu.memory_space<semaphore_mem>>)
        %dma_wait3A = arith.constant 0 : i32
        %dma_wait3A_39 = tpu.memref_slice %arg9[%add3A_30, %dma_wait3A] : memref<50x128xi32, #tpu.memory_space<vmem>> -> memref<1x128xi32, #tpu.memory_space<vmem>>
        %dma_wait3A_40 = tpu.memref_squeeze %dma_wait3A_39 : memref<1x128xi32, #tpu.memory_space<vmem>> -> memref<128xi32, #tpu.memory_space<vmem>>
        %dma_wait3A_41 = arith.constant 0 : i32
        %dma_wait3A_42 = arith.constant 0 : i32
        %dma_wait3A_43 = tpu.memref_slice %arg5[%dma_wait3A_41, %dma_wait3A_42] : memref<100000x64xf32, #tpu.memory_space<hbm>> -> memref<100000x64xf32, #tpu.memory_space<hbm>>
        tpu.wait_indirect_dma semaphore(%arg10 : memref<!tpu.dma_semaphore, #tpu.memory_space<semaphore_mem>>) src(%dma_wait3A_43 : memref<100000x64xf32, #tpu.memory_space<hbm>>) dst(%run_scoped3A : memref<128x64xf32, #tpu.memory_space<vmem>>)
        %mul3A_44 = arith.constant 128 : i32
        %mul3A_45 = arith.muli %add3A_30, %mul3A_44 : i32
        %add3A_46 = arith.addi %mul3A_2, %mul3A_45 : i32
        "tpu.region"() ({
          %run_scoped3A_62 = tpu.sem_alloc : memref<!tpu.dma_semaphore, #tpu.memory_space<semaphore_mem>>
          %dma_start3A_63 = arith.constant 0 : i32
          %dma_start3A_64 = tpu.memref_slice %arg7[%add3A_46, %dma_start3A_63] : memref<204800x64xf32, #tpu.memory_space<hbm>> -> memref<128x64xf32, #tpu.memory_space<hbm>>
          %dma_start3A_65 = arith.constant 0 : i32
          %dma_start3A_66 = tpu.memref_slice %arg7[%add3A_46, %dma_start3A_65] : memref<204800x64xf32, #tpu.memory_space<hbm>> -> memref<128x64xf32, #tpu.memory_space<hbm>>
          tpu.enqueue_dma source(%run_scoped3A : memref<128x64xf32, #tpu.memory_space<vmem>>) target(%dma_start3A_66 : memref<128x64xf32, #tpu.memory_space<hbm>>) target_semaphore(%run_scoped3A_62 : memref<!tpu.dma_semaphore, #tpu.memory_space<semaphore_mem>>)
          %dma_wait3A_67 = arith.constant 0 : i32
          %dma_wait3A_68 = tpu.memref_slice %arg7[%add3A_46, %dma_wait3A_67] : memref<204800x64xf32, #tpu.memory_space<hbm>> -> memref<128x64xf32, #tpu.memory_space<hbm>>
          %dma_wait3A_69 = arith.constant 0 : i32
          %dma_wait3A_70 = tpu.memref_slice %arg7[%add3A_46, %dma_wait3A_69] : memref<204800x64xf32, #tpu.memory_space<hbm>> -> memref<128x64xf32, #tpu.memory_space<hbm>>
          tpu.wait_dma2 semaphore(%run_scoped3A_62 : memref<!tpu.dma_semaphore, #tpu.memory_space<semaphore_mem>>) src(%run_scoped3A : memref<128x64xf32, #tpu.memory_space<vmem>>) dst(%dma_wait3A_70 : memref<128x64xf32, #tpu.memory_space<hbm>>)
          tpu.yield
        }) : () -> ()
        %add3A_47 = arith.constant 2 : i32
        %add3A_48 = arith.addi %add3A_30, %add3A_47 : i32
        %lt3A = arith.constant 50 : i32
        %lt3A_49 = arith.cmpi slt, %add3A_48, %lt3A : i32
        %convert_element_type3A = arith.extui %lt3A_49 : i1 to i32
        %cond3A = arith.constant 0 : i32
        %cond3A_50 = arith.cmpi ne, %convert_element_type3A, %cond3A : i32
        scf.if %cond3A_50 {
          %add3A_62 = arith.constant 2 : i32
          %add3A_63 = arith.addi %add3A_30, %add3A_62 : i32
          %dma_start3A_64 = arith.constant 0 : i32
          %dma_start3A_65 = tpu.memref_slice %arg9[%add3A_63, %dma_start3A_64] : memref<50x128xi32, #tpu.memory_space<vmem>> -> memref<1x128xi32, #tpu.memory_space<vmem>>
          %dma_start3A_66 = tpu.memref_squeeze %dma_start3A_65 : memref<1x128xi32, #tpu.memory_space<vmem>> -> memref<128xi32, #tpu.memory_space<vmem>>
          %dma_start3A_67 = arith.constant 0 : i32
          %dma_start3A_68 = arith.constant 0 : i32
          %dma_start3A_69 = tpu.memref_slice %arg5[%dma_start3A_67, %dma_start3A_68] : memref<100000x64xf32, #tpu.memory_space<hbm>> -> memref<100000x64xf32, #tpu.memory_space<hbm>>
          tpu.enqueue_indirect_dma source(%dma_start3A_69 : memref<100000x64xf32, #tpu.memory_space<hbm>>) target(%run_scoped3A : memref<128x64xf32, #tpu.memory_space<vmem>>) offsets(%dma_start3A_66 : memref<128xi32, #tpu.memory_space<vmem>>) semaphore(%arg10 : memref<!tpu.dma_semaphore, #tpu.memory_space<semaphore_mem>>)
        } else {
        }
        %add3A_51 = arith.constant 1 : i32
        %add3A_52 = arith.addi %add3A_30, %add3A_51 : i32
        %dma_wait3A_53 = arith.constant 0 : i32
        %dma_wait3A_54 = tpu.memref_slice %arg9[%add3A_52, %dma_wait3A_53] : memref<50x128xi32, #tpu.memory_space<vmem>> -> memref<1x128xi32, #tpu.memory_space<vmem>>
        %dma_wait3A_55 = tpu.memref_squeeze %dma_wait3A_54 : memref<1x128xi32, #tpu.memory_space<vmem>> -> memref<128xi32, #tpu.memory_space<vmem>>
        %dma_wait3A_56 = arith.constant 0 : i32
        %dma_wait3A_57 = arith.constant 0 : i32
        %dma_wait3A_58 = tpu.memref_slice %arg5[%dma_wait3A_56, %dma_wait3A_57] : memref<100000x64xf32, #tpu.memory_space<hbm>> -> memref<100000x64xf32, #tpu.memory_space<hbm>>
        tpu.wait_indirect_dma semaphore(%arg11 : memref<!tpu.dma_semaphore, #tpu.memory_space<semaphore_mem>>) src(%dma_wait3A_58 : memref<100000x64xf32, #tpu.memory_space<hbm>>) dst(%run_scoped3A_3 : memref<128x64xf32, #tpu.memory_space<vmem>>)
        %mul3A_59 = arith.constant 128 : i32
        %mul3A_60 = arith.muli %add3A_52, %mul3A_59 : i32
        %add3A_61 = arith.addi %mul3A_2, %mul3A_60 : i32
        "tpu.region"() ({
          %run_scoped3A_62 = tpu.sem_alloc : memref<!tpu.dma_semaphore, #tpu.memory_space<semaphore_mem>>
          %dma_start3A_63 = arith.constant 0 : i32
          %dma_start3A_64 = tpu.memref_slice %arg7[%add3A_61, %dma_start3A_63] : memref<204800x64xf32, #tpu.memory_space<hbm>> -> memref<128x64xf32, #tpu.memory_space<hbm>>
          %dma_start3A_65 = arith.constant 0 : i32
          %dma_start3A_66 = tpu.memref_slice %arg7[%add3A_61, %dma_start3A_65] : memref<204800x64xf32, #tpu.memory_space<hbm>> -> memref<128x64xf32, #tpu.memory_space<hbm>>
          tpu.enqueue_dma source(%run_scoped3A_3 : memref<128x64xf32, #tpu.memory_space<vmem>>) target(%dma_start3A_66 : memref<128x64xf32, #tpu.memory_space<hbm>>) target_semaphore(%run_scoped3A_62 : memref<!tpu.dma_semaphore, #tpu.memory_space<semaphore_mem>>)
          %dma_wait3A_67 = arith.constant 0 : i32
          %dma_wait3A_68 = tpu.memref_slice %arg7[%add3A_61, %dma_wait3A_67] : memref<204800x64xf32, #tpu.memory_space<hbm>> -> memref<128x64xf32, #tpu.memory_space<hbm>>
          %dma_wait3A_69 = arith.constant 0 : i32
          %dma_wait3A_70 = tpu.memref_slice %arg7[%add3A_61, %dma_wait3A_69] : memref<204800x64xf32, #tpu.memory_space<hbm>> -> memref<128x64xf32, #tpu.memory_space<hbm>>
          tpu.wait_dma2 semaphore(%run_scoped3A_62 : memref<!tpu.dma_semaphore, #tpu.memory_space<semaphore_mem>>) src(%run_scoped3A_3 : memref<128x64xf32, #tpu.memory_space<vmem>>) dst(%dma_wait3A_70 : memref<128x64xf32, #tpu.memory_space<hbm>>)
          tpu.yield
        }) : () -> ()
      }
      %scan3A_25 = arith.constant 25 : i32
      tpu.yield
    }) : () -> ()
    return
  }
}

</mosaic_0001>

<sc_bundles>
// kernel: _emb.3.cloned.1.call-start
scs
__scs_entry_jumppad:
0x0: {  	(pc) =	sbr.rel $0x88, $3  }
0x1: {  	(tag) =	ssettag $0x0;
	lr =	simm.s32 $0x1  }
0x2: {  	[smem:$0x3F9D] =	sst lr;
	_ =	strace $0xD0000000  }
0x3: {  	_ = 	snop  }
0x4: {  	_ = 	snop  }
0x5: {  	_ = 	snop  }
0x6: {  	_ = 	snop  }
0x7: {  	_ = 	snop  }
__scs_overlays_trampoline_lowered:
0x8: {  	[smem:$0x3FAC] =	sst s0  }
0x9: {  	[smem:$0x3FAD] =	sst s1  }
0xa: {  	[smem:$0x3FAE] =	sst s2  }
0xb: {  	[smem:$0x3FAF] =	sst s3  }
0xc: {  	[smem:$0x3FB0] =	sst s4  }
0xd: {  	[smem:$0x3FB1] =	sst s5  }
0xe: {  	[smem:$0x3FB2] =	sst s6  }
0xf: {  	[smem:$0x3FB3] =	sst s7  }
0x10: {  	[smem:$0x3FB4] =	sst s8  }
0x11: {  	[smem:$0x3FB5] =	sst s9;
	s0 =	simm.s32 @!p0 $0x0  }
0x12: {  	s1 =	sld [smem:$0x3F9B];
	s0 =	simm.s32 @p0 $0x1  }
0x13: {  	[smem:$0x3FB6] =	sst s0;
	s0 =	simm.s32 @!p1 $0x0  }
0x14: {  	s2 =	sld [smem:$0x3F9A];
	s0 =	simm.s32 @p1 $0x1  }
0x15: {  	[smem:$0x3FB7] =	sst s0;
	s0 =	simm.s32 @!p2 $0x0  }
0x16: {  	s3 =	sld [smem:$0x3FDB];
	s0 =	simm.s32 @p2 $0x1  }
0x17: {  	s4 =	simm.s32 $0x1BF5;
	[smem:$0x3FB9] =	sst s0  }
0x18: {  	s0 =	sld [smem:$0x3F9C];
	_ =	swait.ge [sflag:s4], $0x0  }
0x19: {  	s7 =	sld [smem:$0x3F9D]  }
0x1a: {  	s8 =	sadd.s32 $0xFFFFE003, lr  }
0x1b: {  	s9 =	sadd.s32 $0xFFFFFEF7, lr;
	s5 =	simm.s32 $0xFFFFFFFF;
	p2 =	slt.u32 s8, $0xFFFFF086  }
0x1c: {  	p1 =	slt.u32 s9, $0xF7A;
	s5 =	simm.s32 @!p2 $0x0  }
0x1d: {  	s5 =	simm.s32 @p1 $0x1;
	p0 =	seq.s32 s7, s2  }
0x1e: {  	s7 =	smul.u32 @!p0 $0xF7A, s2;
	p2 =	seq.s32 @!p0 s5, $0x0  }
0x1f: {  	s9 =	smul.u32 $0xF7A, s1;
	s8 =	simm.s32 @!p0 $0x1BF5;
	p2 =	por !p2, p0  }
0x20: {  	[sflag:s8] =	ssyncset.s32 @!p0 $0xFFFFF086;
	s6 =	sadd.s32 @!p0 s3, s7;
	s7 =	simm.s32 @!p0 $0x108  }
0x21: {  	s3 =	sadd.s32 s3, s9;
	s6 =	sadd.s32 @!p0 $0x88, s6;
	s7 =	simm.s32 @p2 $0x1082  }
0x22: {  	[simem:s7], [sflag:s8] =	dma.local @!p0 [hbm:s6], $0xF7A  }
0x23: {  	s9 =	sor.u32 $0xD0000000, s2;
	s6 =	simm.s32 $0x108;
	_ =	swait.ge @!p0 [sflag:s8], $0x0  }
0x24: {  	s3 =	sadd.s32 $0x88, s3;
	s6 =	simm.s32 @!p1 $0x1082;
	[sflag:s4] =	ssyncset.s32 $0xFFFFF086  }
0x25: {  	[simem:s6], [sflag:s4] =	dma.local [hbm:s3], $0xF7A  }
0x26: {  	[smem:$0x3F9D] =	sst s1;
	(tag) =	ssettag s2;
	_ =	strace s9  }
0x27: {  	s1 =	sld [smem:$0x3FAD]  }
0x28: {  	s2 =	sld [smem:$0x3FAE]  }
0x29: {  	s4 =	sld [smem:$0x3FB0]  }
0x2a: {  	p0 =	seq.s32 s5, $0x0;
	s5 =	sld [smem:$0x3FB1]  }
0x2b: {  	s6 =	sld [smem:$0x3FB2]  }
0x2c: {  	s7 =	sld [smem:$0x3FB3]  }
0x2d: {  	s3 =	simm.s32 $0x108;
	s8 =	sld [smem:$0x3FB4]  }
0x2e: {  	s3 =	simm.s32 @!p0 $0x1082;
	s9 =	sld [smem:$0x3FB5]  }
0x2f: {  	lr =	sadd.s32 s0, s3;
	s0 =	sld [smem:$0x3FAC]  }
0x30: {  	s3 =	sld [smem:$0x3FAF]  }
0x31: {  	[smem:$0x3FB8] =	sst s10  }
0x32: {  	s10 =	sld [smem:$0x3FB6];
	_ =	sdelay $0x3  }
0x33: {  	p0 =	seq.s32 s10, $0x1;
	s10 =	sld [smem:$0x3FB8];
	_ =	sdelay $0x3  }
0x34: {  	[smem:$0x3FB8] =	sst s10  }
0x35: {  	s10 =	sld [smem:$0x3FB7];
	_ =	sdelay $0x3  }
0x36: {  	p1 =	seq.s32 s10, $0x1;
	s10 =	sld [smem:$0x3FB8];
	_ =	sdelay $0x3  }
0x37: {  	[smem:$0x3FB8] =	sst s10  }
0x38: {  	s10 =	sld [smem:$0x3FB9]  }
0x39: {  	_ = 	snop;
	(pc) =	sbr.ind lr, $3  }
0x3a: {  	_ = 	snop  }
0x3b: {  	_ = 	snop  }
0x3c: {  	p2 =	seq.s32 s10, $0x1;
	s10 =	sld [smem:$0x3FB8]  }
0x3d: {  	_ =	shalt  }
0x3e: {  	_ =	shalt  }
0x3f: {  	_ =	shalt  }
0x40: {  	_ =	shalt  }
0x41: {  	_ =	shalt  }
0x42: {  	_ =	shalt  }
0x43: {  	_ =	shalt  }
0x44: {  	_ =	shalt  }
0x45: {  	_ =	shalt  }
0x46: {  	_ =	shalt  }
0x47: {  	_ =	shalt  }
0x48: {  	_ =	shalt  }
0x49: {  	_ =	shalt  }
0x4a: {  	_ =	shalt  }
0x4b: {  	_ =	shalt  }
0x4c: {  	_ =	shalt  }
0x4d: {  	_ =	shalt  }
0x4e: {  	_ =	shalt  }
0x4f: {  	_ =	shalt  }
0x50: {  	_ =	shalt  }
0x51: {  	_ =	shalt  }
0x52: {  	_ =	shalt  }
0x53: {  	_ =	shalt  }
0x54: {  	_ =	shalt  }
0x55: {  	_ =	shalt  }
0x56: {  	_ =	shalt  }
0x57: {  	_ =	shalt  }
0x58: {  	_ =	shalt  }
0x59: {  	_ =	shalt  }
0x5a: {  	_ =	shalt  }
0x5b: {  	_ =	shalt  }
0x5c: {  	_ =	shalt  }
0x5d: {  	_ =	shalt  }
0x5e: {  	_ =	shalt  }
0x5f: {  	_ =	shalt  }
0x60: {  	_ =	shalt  }
0x61: {  	_ =	shalt  }
0x62: {  	_ =	shalt  }
0x63: {  	_ =	shalt  }
0x64: {  	_ =	shalt  }
0x65: {  	_ =	shalt  }
0x66: {  	_ =	shalt  }
0x67: {  	_ =	shalt  }
0x68: {  	_ =	shalt  }
0x69: {  	_ =	shalt  }
0x6a: {  	_ =	shalt  }
0x6b: {  	_ =	shalt  }
0x6c: {  	_ =	shalt  }
0x6d: {  	_ =	shalt  }
0x6e: {  	_ =	shalt  }
0x6f: {  	_ =	shalt  }
0x70: {  	_ =	shalt  }
0x71: {  	_ =	shalt  }
0x72: {  	_ =	shalt  }
0x73: {  	_ =	shalt  }
0x74: {  	_ =	shalt  }
0x75: {  	_ =	shalt  }
0x76: {  	_ =	shalt  }
0x77: {  	_ =	shalt  }
0x78: {  	_ =	shalt  }
0x79: {  	_ =	shalt  }
0x7a: {  	_ =	shalt  }
0x7b: {  	_ =	shalt  }
0x7c: {  	_ =	shalt  }
0x7d: {  	_ =	shalt  }
0x7e: {  	_ =	shalt  }
0x7f: {  	_ =	shalt  }
0x80: {  	_ =	shalt  }
0x81: {  	_ =	shalt  }
0x82: {  	_ =	shalt  }
0x83: {  	_ =	shalt  }
0x84: {  	_ =	shalt  }
0x85: {  	_ =	shalt  }
0x86: {  	_ =	shalt  }
0x87: {  	_ =	shalt  }
.Lfunc_end0:
.L_simem_size_0:
called_computation.2_lowered:
.L_overlay_start_0:
0x88: {  	s2 =	sld [smem:$0x3FD9]  }
0x89: {  	s3 =	sld [smem:$0x3FFE];
	_ =	sdelay $0x1  }
0x8a: {  	s1 =	srdreg.scid  }
0x8b: {  	s0 =	sand.u32 $0x1, s1  }
0x8c: {  	s14 =	sshll.u32 s0, $0xA;
	s2 =	sadd.s32 s3, s2  }
0x8d: {  	s2 =	sadd.s32 s2, s14  }
0x8e: {  	[smem:$0x3FC4] =	sst s2  }
0x8f: {  	_ = 	snop  }
0x90: {  	s2 =	sld [smem:$0x3FD0];
	_ =	sdelay $0x2  }
0x91: {  	s15 =	simm.s32 $0xB;
	s4 =	simm.s32 $0x10  }
0x92: {  	[smem:s4], [sflag:s15] =	dma.local [hbm:s2], $0x1  }
0x93: {  	_ =	swait.eq [sflag:s15], $0x1  }
0x94: {  	[sflag:s15] =	ssyncset.done $0x0  }
0x95: {  	s16 =	sld [smem:$0x10];
	[sflag:s15] =	ssyncadd.s32 $0xFFFFFFFF  }
0x96: {  	s17 =	sld [smem:$0x11];
	(tm) =	ssettm $0x1  }
0x97: {  	s18 =	sld [smem:$0x3FFB];
	_ =	sdelay $0x3  }
0x98: {  	_ =	strace s18  }
0x99: {  	s4 =	sld [smem:$0x3FFC];
	_ =	sdelay $0x3  }
0x9a: {  	_ =	strace s4  }
0x9b: {  	s4 =	sld [smem:$0x3FFD];
	_ =	sdelay $0x3  }
0x9c: {  	_ =	strace s4  }
0x9d: {  	_ =	strace $0x8FFFFFFF  }
0x9e: {  	s19 =	sld [smem:$0x3FDB];
	_ =	sdelay $0x1  }
0x9f: {  	s5 =	simm.s32 $_scs_section_size  }
0xa0: {  	s6 =	simm.s32 $_size__tile_overlayer_lowered;
	s7 =	simm.s32 $_tile_overlayer_lowered  }
0xa1: {  	s22 =	simm.s32 $0x1BFF;
	s21 =	sshll.u32 s7, $0x1;
	s4 =	sadd.s32 s5, s19  }
0xa2: {  	s8 =	simm.s32 $0x0;
	s20 =	sshll.u32 s6, $0x1;
	s6 =	sadd.s32 s21, s4  }
0xa3: {  	[timem:s8], [sflag:s22] =	dma.local [hbm:s6], s20  }
0xa4: {  	_ =	swait.ge [sflag:s22], s20  }
0xa5: {  	s5 =	ssub.s32 $0x0, s20;
	[sflag:s22] =	ssyncset.done $0x0  }
0xa6: {  	[sflag:s22] =	ssyncadd.s32 s5;
	_ =	sdelay $0x1  }
0xa7: {  	s23 =	simm.s32 $0x1B8B  }
0xa8: {  	_ =	swait.ge [sflag:s23], $0x1  }
0xa9: {  	[sflag:s23] =	ssyncset.done $0x0  }
0xaa: {  	s25 =	simm.s32 $0x1B8E;
	s24 =	sld [smem:$0x3FFE];
	[sflag:s23] =	ssyncadd.s32 $0xFFFFFFFF  }
0xab: {  	s26 =	simm.s32 $execute0_lowered;
	[smem:$0x3FD2] =	sst s25  }
0xac: {  	s6 =	sshll.u32 s26, $0x1;
	_ =	strace $0x80000046;
	[dreg:$0x1] =	wrdreg $0xFFFFFFFF  }
0xad: {  	s28 =	simm.s32 $_size_execute0_lowered;
	s4 =	sadd.s32 s4, s6;
	[dreg:$0x0] =	wrdreg $0x0  }
0xae: {  	s6 =	sshll.u32 s28, $0x1;
	[dreg:$0x2] =	wrdreg s4  }
0xaf: {  	[dreg:$0x3] =	wrdreg s6  }
0xb0: {  	[dreg:$0x4] =	wrdreg $0xC0  }
0xb1: {  	_ =	task [dreg:s8], $0x5FFFF  }
0xb2: {  	[dreg:$0x1] =	wrdreg $0xFFFFFFFF  }
0xb3: {  	[dreg:$0x0] =	wrdreg $0x60  }
0xb4: {  	[dreg:$0x2] =	wrdreg s24  }
0xb5: {  	[dreg:$0x3] =	wrdreg s16  }
0xb6: {  	[dreg:$0x4] =	wrdreg s17  }
0xb7: {  	[dreg:$0x5] =	wrdreg $0x9  }
0xb8: {  	_ =	task.clear_ibuf [dreg:s8], $0x6FFFF;
	_ =	strace $0x90000046  }
0xb9: {  	s29 =	simm.s32 $0x9;
	_ =	strace $0x80000048  }
0xba: {  	_ =	swait.ge [sflag:s29], $0x1  }
0xbb: {  	[sflag:s29] =	ssyncadd.s32 $0xFFFFFFFF  }
0xbc: {  	_ =	strace $0x90000048  }
0xbd: {  	_ =	sfence  }
0xbe: {  	s30 =	sld [smem:$0x0];
	_ =	sdelay $0x2  }
0xbf: {  	s31 =	sshll.u32 s1, $0xD;
	s1 =	sshrl.u32 s1, $0x2  }
0xc0: {  	s3 =	sand.u32 $0x4000, s31;
	s1 =	sadd.s32 s1, s30  }
0xc1: {  	s0 =	sor.u32 s3, s0;
	s1 =	sshll.u32 s1, $0x11  }
0xc2: {  	s0 =	sor.u32 s1, s0  }
0xc3: {  	s0 =	sadd.s32 $0x8F2B, s0  }
0xc4: {  	[sflag:s0] =	ssyncadd.remote.s32 $0x1  }
0xc5: {  	_ =	sfence.sel $0xFFFF  }
0xc6: {  	[dreg:$0x0] =	wrdreg $0xFFFFFFFF;
	(pc) =	sbr.abs _section_cstart, $3  }
0xc7: {  	[dreg:$0x1] =	wrdreg $0xFFFFFFFF  }
0xc8: {  	_ =	task.clear_ibuf [dreg:s8], $0x2FFFF;
	_ =	strace $0x9FFFFFFF  }
0xc9: {  	(tm) =	ssettm $0x7FFFFFFF  }
tec
execute0_lowered:
.L_overlay_start_1:
0x0: {  	(tag) =	ssettag $0x1  }
0x1: {  	s1 =	srdreg.scid;
	s4 =	rddreg [dreg:$0x0]  }
0x2: {  	s0 =	stileid.u32;
	s13 =	rddreg [dreg:$0x1]  }
0x3: {  	s15 =	rddreg [dreg:$0x2];
	s2 =	simm.s32 $0x0;
	s19 =	simm.s32 $0x80  }
0x4: {  	s20 =	simm.s32 $0x5200;
	s21 =	simm.s32 $0x1;
	s11 =	smul.u32 $0xC8000, s0  }
0x5: {  	s22 =	simm.s32 $0x2;
	s8 =	sand.u32 $0x1, s1;
	s12 =	smul.u32 $0x3200, s0  }
0x6: {  	s23 =	simm.s32 $0x1880;
	s26 =	sshll.u32 s0, $0x1;
	s16 =	smul.u32 $0x1900, s8  }
0x7: {  	s24 =	simm.s32 $0x3180;
	s5 =	sor.u32 s8, s26;
	s17 =	smul.u32 $0x64000, s8  }
0x8: {  	s25 =	simm.s32 $0x0;
	s1 =	rddreg [dreg:$0x3];
	s3 =	smul.u32 $0x1900, s5  }
0x9: {  	[smem:$0x7FF] =	sst s2;
	s9 =	ssub.s32 $0x2, s8;
	s7 =	smul.u32 $0x64000, s5  }
0xa: {  	_ =	strace $0x80000047;
	s10 =	smul.u32 $0xC800, s5;
	s28 =	sshrl.u32 s9, $0x1  }
0xb: {  	s9 =	ssub.s32 s9, s28;
	s29 =	sadd.s32 s16, s12;
	s11 =	sadd.s32 s17, s11  }
0xc: {  	s16 =	simm.s32 $0x3;
	s17 =	simm.s32 $0x1900;
	s3 =	sshrl.u32 s3, $0x3  }
0xd: {  	s14 =	sshrl.u32 s7, $0x3;
	s7 =	smax.u32 s9, $0x1;
	s18 =	sadd.s32 $0xC400, s10  }
0xe: {  	s12 =	sshll.u32 s29, $0x3;
	s30 =	sshrl.u32 s11, $0x3;
	s6 =	sadd.s32 s3, s4  }
0xf: {  	s3 =	sadd.s32 $0xF400, s4;
	s4 =	sadd.s32 $0xD2A00, s4;
	s14 =	sadd.s32 $0xC000, s14  }
0x10: {  	s9 =	sadd.s32 s13, s18;
	s31 =	sor.u32 $0x400, s12;
	s11 =	sadd.s32 s15, s18  }
0x11: {  	s12 =	sadd.s32 s30, s13;
	s18 =	simm.s32 $0x3200;
	s5 =	sadd.s32 $0x2C00, s6  }
0x12: {  	s6 =	sadd.s32 $0x9000, s6;
	s8 =	sadd.s32 s13, s14;
	s10 =	sadd.s32 s15, s14  }
0x13: {  	s13 =	sadd.s32 s31, s13;
	s14 =	sadd.s32 s30, s15;
	s15 =	sadd.s32 s31, s15  }
.LBB2_1:
0x14: {  	[tilespmem:s2], [sflag:$0x3] =	stream.linear.gather [hbm4b:s5+s2], $0x1900, $0x38;
	[tilespmem:$0x7200] =	vst v63  }
0x15: {  	_ =	swait.ge [sflag:s16], $0x1900  }
0x16: {  	[sflag:s16] =	ssyncset.done $0x0  }
0x17: {  	[sflag:s16] =	ssyncadd.s32 $0xFFFFE700  }
0x18: {  	[tilespmem:s17], [sflag:$0x3] =	stream.linear.gather [hbm4b:s6+s2], $0x1900, $0x38;
	[tilespmem:$0x7200] =	vst v63  }
0x19: {  	_ =	swait.ge [sflag:s16], $0x1900  }
0x1a: {  	[sflag:s16] =	ssyncset.done $0x0  }
0x1b: {  	[sflag:s16] =	ssyncadd.s32 $0xFFFFE700  }
0x1c: {  	[tilespmem:s18], [sflag:$0x1] =	stream.indirect.gather [hbm4b:s3+s19], $0x40, s2, s19, $0xb8;
	[tilespmem:$0x7200] =	vst v63  }
0x1d: {  	_ = 	snop  }
0x1e: {  	[tilespmem:s20], [sflag:$0x2] =	stream.indirect.gather [hbm4b:s3+s19], $0x40, s19, s19, $0xb8;
	[tilespmem:$0x7200] =	vst v63  }
0x1f: {  	_ =	swait.ge [sflag:s21], $0x2000  }
0x20: {  	[sflag:s21] =	ssyncset.done $0x0  }
0x21: {  	s26 =	sadd.s32 $0x0, s12;
	[sflag:s21] =	ssyncadd.s32 $0xFFFFE000  }
0x22: {  	[hbm4b:s26+s2] =	stream.linear.scatter [tilespmem:s18], [sflag:$0x3], $0x2000, $0x38;
	[tilespmem:$0x7200] =	vst v63  }
0x23: {  	_ =	swait.ge [sflag:s16], $0x2000  }
0x24: {  	[sflag:s16] =	ssyncset.done $0x0  }
0x25: {  	s30 =	simm.s32 $0x100;
	[sflag:s16] =	ssyncadd.s32 $0xFFFFE000  }
0x26: {  	[tilespmem:s18], [sflag:$0x1] =	stream.indirect.gather [hbm4b:s3+s19], $0x40, s30, s19, $0xb8;
	[tilespmem:$0x7200] =	vst v63  }
0x27: {  	_ =	swait.ge [sflag:s22], $0x2000  }
0x28: {  	[sflag:s22] =	ssyncset.done $0x0  }
0x29: {  	s31 =	sadd.s32 $0x0, s13;
	[sflag:s22] =	ssyncadd.s32 $0xFFFFE000  }
0x2a: {  	[hbm4b:s31+s2] =	stream.linear.scatter [tilespmem:s20], [sflag:$0x3], $0x2000, $0x38;
	[tilespmem:$0x7200] =	vst v63  }
0x2b: {  	_ =	swait.ge [sflag:s16], $0x2000  }
0x2c: {  	s28 =	simm.s32 $0x80;
	s26 =	simm.s32 $0x800;
	[sflag:s16] =	ssyncset.done $0x0  }
.LBB2_2:
0x2d: {  	p0 =	sne.s32 s26, $0xB800;
	[sflag:s16] =	ssyncadd.s32 $0xFFFFE000;
	s28 =	sadd.s32 $0x100, s28  }
0x2e: {  	[tilespmem:s20], [sflag:$0x2] =	stream.indirect.gather [hbm4b:s3+s19], $0x40, s28, s19, $0xb8;
	[tilespmem:$0x7200] =	vst v63  }
0x2f: {  	s29 =	smov.u32 s26;
	s26 =	sadd.s32 $0x800, s26;
	_ =	swait.ge [sflag:s21], $0x2000  }
0x30: {  	[sflag:s21] =	ssyncset.done $0x0  }
0x31: {  	s30 =	sadd.s32 s29, s12;
	[sflag:s21] =	ssyncadd.s32 $0xFFFFE000  }
0x32: {  	[hbm4b:s30+s2] =	stream.linear.scatter [tilespmem:s18], [sflag:$0x3], $0x2000, $0x38;
	[tilespmem:$0x7200] =	vst v63  }
0x33: {  	_ =	swait.ge [sflag:s16], $0x2000  }
0x34: {  	[sflag:s16] =	ssyncset.done $0x0  }
0x35: {  	s30 =	sadd.s32 $0x80, s28;
	[sflag:s16] =	ssyncadd.s32 $0xFFFFE000  }
0x36: {  	[tilespmem:s18], [sflag:$0x1] =	stream.indirect.gather [hbm4b:s3+s19], $0x40, s30, s19, $0xb8;
	[tilespmem:$0x7200] =	vst v63  }
0x37: {  	_ =	swait.ge [sflag:s22], $0x2000  }
.Ltmp0:
0x38: {  	[sflag:s22] =	ssyncset.done $0x0;
	(pc) =	sbr.rel @p0 .LBB2_2-.Ltmp0, $4  }
0x39: {  	s29 =	sadd.s32 s29, s13;
	[sflag:s22] =	ssyncadd.s32 $0xFFFFE000  }
0x3a: {  	[hbm4b:s29+s2] =	stream.linear.scatter [tilespmem:s20], [sflag:$0x3], $0x2000, $0x38;
	[tilespmem:$0x7200] =	vst v63  }
0x3b: {  	_ =	swait.ge [sflag:s16], $0x2000  }
0x3c: {  	[sflag:s16] =	ssyncset.done $0x0  }
0x3d: {  	[sflag:s16] =	ssyncadd.s32 $0xFFFFE000  }
0x3e: {  	[tilespmem:s20], [sflag:$0x2] =	stream.indirect.gather [hbm4b:s3+s19], $0x40, s23, s19, $0xb8;
	[tilespmem:$0x7200] =	vst v63  }
0x3f: {  	_ =	swait.ge [sflag:s21], $0x2000  }
0x40: {  	[sflag:s21] =	ssyncset.done $0x0  }
0x41: {  	s26 =	simm.s32 $0x0;
	[sflag:s21] =	ssyncadd.s32 $0xFFFFE000  }
0x42: {  	[hbm4b:s8+s26] =	stream.linear.scatter [tilespmem:s18], [sflag:$0x3], $0x2000, $0x38;
	[tilespmem:$0x7200] =	vst v63  }
0x43: {  	_ =	swait.ge [sflag:s16], $0x2000  }
0x44: {  	[sflag:s16] =	ssyncset.done $0x0  }
0x45: {  	[sflag:s16] =	ssyncadd.s32 $0xFFFFE000  }
0x46: {  	_ =	swait.ge [sflag:s22], $0x2000  }
0x47: {  	[sflag:s22] =	ssyncset.done $0x0  }
0x48: {  	[sflag:s22] =	ssyncadd.s32 $0xFFFFE000  }
0x49: {  	[hbm4b:s9+s26] =	stream.linear.scatter [tilespmem:s20], [sflag:$0x3], $0x2000, $0x38;
	[tilespmem:$0x7200] =	vst v63  }
0x4a: {  	_ =	swait.ge [sflag:s16], $0x2000  }
0x4b: {  	[sflag:s16] =	ssyncset.done $0x0  }
0x4c: {  	[sflag:s16] =	ssyncadd.s32 $0xFFFFE000  }
0x4d: {  	[tilespmem:s18], [sflag:$0x1] =	stream.indirect.gather [hbm4b:s4+s19], $0x40, s17, s19, $0xb8;
	[tilespmem:$0x7200] =	vst v63  }
0x4e: {  	s26 =	simm.s32 $0x1980  }
0x4f: {  	[tilespmem:s20], [sflag:$0x2] =	stream.indirect.gather [hbm4b:s4+s19], $0x40, s26, s19, $0xb8;
	[tilespmem:$0x7200] =	vst v63  }
0x50: {  	_ =	swait.ge [sflag:s21], $0x2000  }
0x51: {  	[sflag:s21] =	ssyncset.done $0x0  }
0x52: {  	s28 =	sadd.s32 $0x0, s14;
	[sflag:s21] =	ssyncadd.s32 $0xFFFFE000  }
0x53: {  	[hbm4b:s28+s2] =	stream.linear.scatter [tilespmem:s18], [sflag:$0x3], $0x2000, $0x38;
	[tilespmem:$0x7200] =	vst v63  }
0x54: {  	_ =	swait.ge [sflag:s16], $0x2000  }
0x55: {  	[sflag:s16] =	ssyncset.done $0x0  }
0x56: {  	s28 =	simm.s32 $0x1A00;
	[sflag:s16] =	ssyncadd.s32 $0xFFFFE000  }
0x57: {  	[tilespmem:s18], [sflag:$0x1] =	stream.indirect.gather [hbm4b:s4+s19], $0x40, s28, s19, $0xb8;
	[tilespmem:$0x7200] =	vst v63  }
0x58: {  	_ =	swait.ge [sflag:s22], $0x2000  }
0x59: {  	[sflag:s22] =	ssyncset.done $0x0  }
0x5a: {  	s28 =	sadd.s32 $0x0, s15;
	[sflag:s22] =	ssyncadd.s32 $0xFFFFE000  }
0x5b: {  	[hbm4b:s28+s2] =	stream.linear.scatter [tilespmem:s20], [sflag:$0x3], $0x2000, $0x38;
	[tilespmem:$0x7200] =	vst v63  }
0x5c: {  	_ =	swait.ge [sflag:s16], $0x2000  }
0x5d: {  	s28 =	simm.s32 $0x800;
	[sflag:s16] =	ssyncset.done $0x0  }
.LBB2_4:
0x5e: {  	p0 =	sne.s32 s28, $0xB800;
	[sflag:s16] =	ssyncadd.s32 $0xFFFFE000;
	s26 =	sadd.s32 $0x100, s26  }
0x5f: {  	[tilespmem:s20], [sflag:$0x2] =	stream.indirect.gather [hbm4b:s4+s19], $0x40, s26, s19, $0xb8;
	[tilespmem:$0x7200] =	vst v63  }
0x60: {  	s29 =	smov.u32 s28;
	s28 =	sadd.s32 $0x800, s28;
	_ =	swait.ge [sflag:s21], $0x2000  }
0x61: {  	[sflag:s21] =	ssyncset.done $0x0  }
0x62: {  	s30 =	sadd.s32 s29, s14;
	[sflag:s21] =	ssyncadd.s32 $0xFFFFE000  }
0x63: {  	[hbm4b:s30+s2] =	stream.linear.scatter [tilespmem:s18], [sflag:$0x3], $0x2000, $0x38;
	[tilespmem:$0x7200] =	vst v63  }
0x64: {  	_ =	swait.ge [sflag:s16], $0x2000  }
0x65: {  	[sflag:s16] =	ssyncset.done $0x0  }
0x66: {  	s30 =	sadd.s32 $0x80, s26;
	[sflag:s16] =	ssyncadd.s32 $0xFFFFE000  }
0x67: {  	[tilespmem:s18], [sflag:$0x1] =	stream.indirect.gather [hbm4b:s4+s19], $0x40, s30, s19, $0xb8;
	[tilespmem:$0x7200] =	vst v63  }
0x68: {  	_ =	swait.ge [sflag:s22], $0x2000  }
.Ltmp1:
0x69: {  	[sflag:s22] =	ssyncset.done $0x0;
	(pc) =	sbr.rel @p0 .LBB2_4-.Ltmp1, $4  }
0x6a: {  	s29 =	sadd.s32 s29, s15;
	[sflag:s22] =	ssyncadd.s32 $0xFFFFE000  }
0x6b: {  	[hbm4b:s29+s2] =	stream.linear.scatter [tilespmem:s20], [sflag:$0x3], $0x2000, $0x38;
	[tilespmem:$0x7200] =	vst v63  }
0x6c: {  	_ =	swait.ge [sflag:s16], $0x2000  }
0x6d: {  	[sflag:s16] =	ssyncset.done $0x0  }
0x6e: {  	[sflag:s16] =	ssyncadd.s32 $0xFFFFE000  }
0x6f: {  	[tilespmem:s20], [sflag:$0x2] =	stream.indirect.gather [hbm4b:s4+s19], $0x40, s24, s19, $0xb8;
	[tilespmem:$0x7200] =	vst v63  }
0x70: {  	_ =	swait.ge [sflag:s21], $0x2000  }
0x71: {  	[sflag:s21] =	ssyncset.done $0x0  }
0x72: {  	[sflag:s21] =	ssyncadd.s32 $0xFFFFE000  }
0x73: {  	[hbm4b:s10+s2] =	stream.linear.scatter [tilespmem:s18], [sflag:$0x3], $0x2000, $0x38;
	[tilespmem:$0x7200] =	vst v63  }
0x74: {  	_ =	swait.ge [sflag:s16], $0x2000  }
0x75: {  	[sflag:s16] =	ssyncset.done $0x0  }
0x76: {  	[sflag:s16] =	ssyncadd.s32 $0xFFFFE000  }
0x77: {  	s25 =	sadd.s32 $0x1, s25;
	_ =	swait.ge [sflag:s22], $0x2000  }
0x78: {  	p0 =	sne.s32 s25, s7;
	[sflag:s22] =	ssyncset.done $0x0  }
.Ltmp2:
0x79: {  	[sflag:s22] =	ssyncadd.s32 $0xFFFFE000;
	(pc) =	sbr.rel @p0 .LBB2_1-.Ltmp2, $4  }
0x7a: {  	[hbm4b:s11+s2] =	stream.linear.scatter [tilespmem:s20], [sflag:$0x3], $0x2000, $0x38;
	[tilespmem:$0x7200] =	vst v63  }
0x7b: {  	_ =	swait.ge [sflag:s16], $0x2000  }
0x7c: {  	[sflag:s16] =	ssyncset.done $0x0  }
0x7d: {  	[sflag:s16] =	ssyncadd.s32 $0xFFFFE000  }
0x7e: {  	_ =	sfence.sel $0x180000  }
0x7f: {  	[bflag:$0x0] =	sbarrier.arrive $0xFFFF  }
0x80: {  	p0 =	sne.s32 s0, $0x0;
	_ =	strace $0x90000047  }
0x81: {  	s0 =	sadd.s32 @!p0 $0x100000, s1;
	[bflag:$0x2] =	sbarrier.arrive $0xFFFF  }
0x82: {  	[sflag:s0] =	ssyncadd.tile.s32 @!p0 $0x1;
	_ =	shalt  }
.Lfunc_end2:
_tile_overlayer_lowered:
.L_overlay_start_2:
0x83: {  	(tag) =	ssettag $0x2  }
0x84: {  	s0 =	rddreg [dreg:$0x0];
	s2 =	stileid.u32  }
0x85: {  	s1 =	rddreg [dreg:$0x1];
	p0 =	sne.s32 s2, $0x0  }
0x86: {  	s3 =	rddreg [dreg:$0x2];
	[bflag:$0x3] =	sbarrier.arrive $0xFFFF;
	s2 =	simm.s32 @!p0 $0x1C03  }
0x87: {  	[timem:s3], [sflag:s2] =	dma.local @!p0 [hbm:s0], s1  }
0x88: {  	s0 =	simm.s32 @!p0 $0x3  }
0x89: {  	_ =	swait.ge @!p0 [sflag:s0], s1  }
0x8a: {  	s1 =	ssub.s32 @!p0 $0x0, s1;
	[sflag:s0] =	ssyncset.done @!p0 $0x0  }
0x8b: {  	[sflag:s0] =	ssyncadd.s32 @!p0 s1  }
0x8c: {  	[bflag:$0x3] =	sbarrier.arrive $0xFFFF  }
0x8d: {  	_ =	shalt  }

// kernel: sparse-core-data-format-call.1.cloned.1.call-start
scs
called_computation.1_lowered:
.L_overlay_start_0:
0x0: {  	s2 =	sld [smem:$0x3FD9]  }
0x1: {  	s3 =	sld [smem:$0x3FFE];
	_ =	sdelay $0x1  }
0x2: {  	s1 =	srdreg.scid  }
0x3: {  	s0 =	sand.u32 $0x1, s1  }
0x4: {  	s16 =	sshll.u32 s0, $0xA;
	s2 =	sadd.s32 s3, s2  }
0x5: {  	s2 =	sadd.s32 s2, s16  }
0x6: {  	[smem:$0x3FC4] =	sst s2  }
0x7: {  	_ = 	snop  }
0x8: {  	s2 =	sld [smem:$0x3FD0];
	_ =	sdelay $0x2  }
0x9: {  	s17 =	simm.s32 $0xB;
	s4 =	simm.s32 $0x10  }
0xa: {  	[smem:s4], [sflag:s17] =	dma.local [hbm:s2], $0x1  }
0xb: {  	_ =	swait.eq [sflag:s17], $0x1  }
0xc: {  	[sflag:s17] =	ssyncset.done $0x0  }
0xd: {  	[sflag:s17] =	ssyncadd.s32 $0xFFFFFFFF  }
0xe: {  	s18 =	sld [smem:$0x10];
	(tm) =	ssettm $0x1  }
0xf: {  	s19 =	sld [smem:$0x3FFB];
	_ =	sdelay $0x3  }
0x10: {  	_ =	strace s19  }
0x11: {  	s2 =	sld [smem:$0x3FFC];
	_ =	sdelay $0x3  }
0x12: {  	_ =	strace s2  }
0x13: {  	s2 =	sld [smem:$0x3FFD];
	_ =	sdelay $0x3  }
0x14: {  	_ =	strace s2  }
0x15: {  	_ =	strace $0x8FFFFFFF  }
0x16: {  	s20 =	sld [smem:$0x3FDB];
	_ =	sdelay $0x1  }
0x17: {  	s21 =	simm.s32 $_scs_section_size  }
0x18: {  	s5 =	simm.s32 $_size__tile_overlayer_lowered;
	s6 =	simm.s32 $_tile_overlayer_lowered  }
0x19: {  	s7 =	simm.s32 $0x1BFF;
	s22 =	sshll.u32 s6, $0x1;
	s4 =	sadd.s32 s21, s20  }
0x1a: {  	s23 =	simm.s32 $0x0;
	s5 =	sshll.u32 s5, $0x1;
	s6 =	sadd.s32 s22, s4  }
0x1b: {  	[timem:s23], [sflag:s7] =	dma.local [hbm:s6], s5  }
0x1c: {  	_ =	swait.ge [sflag:s7], s5  }
0x1d: {  	s5 =	ssub.s32 $0x0, s5;
	[sflag:s7] =	ssyncset.done $0x0  }
0x1e: {  	[sflag:s7] =	ssyncadd.s32 s5;
	_ =	sdelay $0x1  }
0x1f: {  	s24 =	simm.s32 $0x1B8B  }
0x20: {  	_ =	swait.ge [sflag:s24], $0x1  }
0x21: {  	[sflag:s24] =	ssyncset.done $0x0  }
0x22: {  	[sflag:s24] =	ssyncadd.s32 $0xFFFFFFFF  }
0x23: {  	s5 =	sld [smem:$0x0]  }
0x24: {  	s6 =	sand.u32 $0xFFFFFFFE, s1  }
0x25: {  	p0 =	sne.s32 s1, s6  }
0x26: {  	s6 =	sshll.u32 @p0 s6, $0xE  }
0x27: {  	s6 =	sadd.s32 @p0 $0x11B8D, s6;
	s7 =	sshll.u32 @p0 s5, $0x11  }
0x28: {  	s6 =	sor.u32 @p0 s7, s6  }
0x29: {  	[sflag:s6] =	ssyncadd.remote.s32 @p0 $0x1;
	_ =	sdelay $0x1  }
0x2a: {  	s6 =	simm.s32 @p0 $0x1B8D  }
0x2b: {  	_ =	swait.eq @p0 [sflag:s6], $0x1  }
0x2c: {  	[sflag:s6] =	ssyncadd.s32 @p0 $0xFFFFFFFF  }
0x2d: {  	s7 =	sshll.u32 @!p0 s1, $0xE  }
0x2e: {  	s7 =	sor.u32 @!p0 $0x4000, s7;
	s6 =	simm.s32 @!p0 $0x1B8D  }
0x2f: {  	s5 =	sshll.u32 @!p0 s5, $0x11;
	s7 =	sadd.s32 @!p0 $0x11B8D, s7;
	_ =	swait.eq @!p0 [sflag:s6], $0x1  }
0x30: {  	s5 =	sor.u32 @!p0 s5, s7;
	[sflag:s6] =	ssyncadd.s32 @!p0 $0xFFFFFFFF  }
0x31: {  	s26 =	simm.s32 $0x1B8E;
	s25 =	sld [smem:$0x3FFE];
	[sflag:s5] =	ssyncadd.remote.s32 @!p0 $0x1  }
0x32: {  	s27 =	simm.s32 $execute0_lowered;
	[smem:$0x3FD2] =	sst s26  }
0x33: {  	s6 =	sshll.u32 s27, $0x1;
	_ =	strace $0x8000004C;
	[dreg:$0x1] =	wrdreg $0xFFFFFFFF  }
0x34: {  	s28 =	simm.s32 $_size_execute0_lowered;
	s4 =	sadd.s32 s4, s6;
	[dreg:$0x0] =	wrdreg $0x0  }
0x35: {  	s6 =	sshll.u32 s28, $0x1;
	[dreg:$0x2] =	wrdreg s4  }
0x36: {  	[dreg:$0x3] =	wrdreg s6  }
0x37: {  	[dreg:$0x4] =	wrdreg $0xC0  }
0x38: {  	_ =	task [dreg:s23], $0x5FFFF  }
0x39: {  	[dreg:$0x1] =	wrdreg $0xFFFFFFFF  }
0x3a: {  	[dreg:$0x0] =	wrdreg $0x60  }
0x3b: {  	[dreg:$0x2] =	wrdreg s25  }
0x3c: {  	[dreg:$0x3] =	wrdreg s18  }
0x3d: {  	[dreg:$0x4] =	wrdreg $0xA  }
0x3e: {  	_ =	task.clear_ibuf [dreg:s23], $0x5FFFF;
	_ =	strace $0x9000004C  }
0x3f: {  	s29 =	simm.s32 $0xA;
	_ =	strace $0x8000004E  }
0x40: {  	_ =	swait.ge [sflag:s29], $0x1  }
0x41: {  	[sflag:s29] =	ssyncadd.s32 $0xFFFFFFFF  }
0x42: {  	_ =	strace $0x9000004E  }
0x43: {  	_ =	sfence  }
0x44: {  	s30 =	sld [smem:$0x0];
	_ =	sdelay $0x2  }
0x45: {  	s31 =	sshll.u32 s1, $0xD;
	s1 =	sshrl.u32 s1, $0x2  }
0x46: {  	s4 =	sand.u32 $0x4000, s31;
	s1 =	sadd.s32 s1, s30  }
0x47: {  	s0 =	sor.u32 s4, s0;
	s1 =	sshll.u32 s1, $0x11  }
0x48: {  	s0 =	sor.u32 s1, s0  }
0x49: {  	s0 =	sadd.s32 $0x8F2B, s0  }
0x4a: {  	[sflag:s0] =	ssyncadd.remote.s32 $0x1  }
0x4b: {  	_ =	sfence.sel $0xFFFF  }
0x4c: {  	[dreg:$0x0] =	wrdreg $0xFFFFFFFF;
	(pc) =	sbr.abs _section_cstart, $3  }
0x4d: {  	[dreg:$0x1] =	wrdreg $0xFFFFFFFF  }
0x4e: {  	_ =	task.clear_ibuf [dreg:s23], $0x2FFFF;
	_ =	strace $0x9FFFFFFF  }
0x4f: {  	(tm) =	ssettm $0x7FFFFFFF  }
tec
execute0_lowered:
.L_overlay_start_1:
0x0: {  	(tag) =	ssettag $0x1  }
0x1: {  	s0 =	srdreg.scid  }
0x2: {  	s1 =	sshll.u32 s0, $0x4  }
0x3: {  	s0 =	stileid.u32;
	s1 =	sand.u32 $0x10, s1  }
0x4: {  	s1 =	sor.u32 s0, s1  }
0x5: {  	s6 =	rddreg [dreg:$0x0];
	s4 =	simm.s32 $0x1;
	s2 =	sshll.u32 s1, $0x7  }
0x6: {  	s7 =	simm.s32 $0x2;
	s12 =	simm.s32 $0x0;
	s1 =	ssub.s32 $0x1000, s2  }
0x7: {  	s8 =	simm.s32 $0x8000;
	s13 =	simm.s32 $0x0;
	s3 =	sand.u32 $0xF80, s1  }
0x8: {  	s9 =	simm.s32 $0x0;
	s5 =	sshrl.u32 s1, $0xC;
	p0 =	sne.s32 s3, $0x0  }
.Ltmp0:
0x9: {  	s1 =	rddreg [dreg:$0x2];
	s4 =	simm.s32 @!p0 $0x0;
	(pc) =	sbr.rel .LBB1_1-.Ltmp0, $4  }
0xa: {  	s11 =	simm.s32 $0x0;
	s3 =	rddreg [dreg:$0x1];
	s5 =	sadd.s32 s4, s5  }
0xb: {  	_ =	strace $0x8000004D;
	s4 =	simm.s32 $0x1;
	s5 =	smul.u32 $0x32, s5  }
0xc: {  	s6 =	sadd.s32 $0x382C00, s6;
	s10 =	smov.u32 s2;
	[sflag:s4] =	ssyncpa.u1 $0x0  }
0xd: {  	p0 =	por $0x0, $0x0;
	[sflag:s7] =	ssyncpa.u1 $0x0;
	s7 =	sor.u32 $0x1, s5  }
.LBB1_4:
0xe: {  	s16 =	sshll.u32 s13, $0x3;
	s17 =	sand.u32 $0x78, s13  }
0xf: {  	s30 =	sand.u32 $0x7E00, s13;
	s12 =	sshll.u32 s12, $0xF;
	s16 =	sand.u32 $0xC00, s16  }
0x10: {  	[tilespmem:s15+$0x810 ss:$0x81] =	vst.msk $0xffff, v2;
	s31 =	sand.u32 $0x7, s13;
	s16 =	sor.u32 s17, s16;
	s17 =	sadd.s32 s3, s30  }
0x11: {  	[tilespmem:s15+$0x1020 ss:$0x81] =	vst.msk $0xffff, v0;
	s13 =	sshll.u32 s31, $0x12;
	s12 =	sadd.s32 s12, s17;
	s16 =	sshrl.u32 s16, $0x3  }
0x12: {  	[tilespmem:s15+$0x0 ss:$0x81] =	vst.msk $0xffff, v1;
	s13 =	sor.u32 $0x400, s13;
	s12 =	sadd.s32 s16, s12  }
0x13: {  	[hbm4b:s12+s13] =	stream.strided.scatter [tilespmem:s14], [sflag:$0x2], $0x2000, s8, s13, $0x20;
	[tilespmem:$0x8080] =	vst v63  }
.LBB1_5:
0x14: {  	s14 =	sadd.s32 $0x1, s9  }
0x15: {  	s12 =	sadd.s32 $0x1000, s10;
	s16 =	smov.u32 s10;
	p2 =	sgt.s32 s14, $0x31  }
0x16: {  	s16 =	smov.u32 @p2 s12  }
0x17: {  	s14 =	simm.s32 @p2 $0x0;
	p2 =	sgt.s32 s16, $0xFFF  }
0x18: {  	s16 =	smov.u32 @p2 s2;
	p2 =	sne.s32 s11, s7  }
.Ltmp1:
0x19: {  	p1 =	slt.u32 s11, $0x2;
	(pc) =	sbr.rel @!p2 .LBB1_6-.Ltmp1, $4  }
0x1a: {  	s15 =	simm.s32 @!p1 $0x2  }
0x1b: {  	s13 =	smov.u32 s10;
	p0 =	por !p0, !p0;
	_ =	swait.ge @!p1 [sflag:s15], $0x2000  }
0x1c: {  	s12 =	smov.u32 s9;
	[sflag:s15] =	ssyncset.done @!p1 $0x0;
	s9 =	smov.u32 s14  }
0x1d: {  	s11 =	sadd.s32 $0x1, s11;
	[sflag:s15] =	ssyncadd.s32 @!p1 $0xFFFFE000;
	s10 =	smov.u32 s16  }
.LBB1_1:
0x1e: {  	p1 =	sge.u32 s11, s5  }
0x1f: {  	s14 =	sand.u32 @!p1 $0x1FFFFFF, s9  }
0x20: {  	s15 =	smulhi.u32 @!p1 $0x4924925, s14;
	_ =	sdelay $0x1  }
0x21: {  	s15 =	smul.u32 @!p1 $0x38, s15  }
0x22: {  	s16 =	sxor.u32 @!p1 $0xFFFFFFFF, s11;
	s17 =	smul.u32 @!p1 $0x380, s10  }
0x23: {  	s31 =	sadd.s32 $0xFFFFFFFF, s11;
	s16 =	sshll.u32 @!p1 s16, $0xD;
	s14 =	ssub.s32 @!p1 s14, s15  }
0x24: {  	s15 =	sand.u32 @!p1 $0x2000, s16;
	s16 =	sadd.s32 @!p1 s6, s17;
	s14 =	sshll.u32 @!p1 s14, $0x4  }
0x25: {  	s17 =	simm.s32 @!p1 $0x1C00;
	s14 =	sadd.s32 @!p1 s14, s16;
	s16 =	simm.s32 @!p1 $0x40  }
0x26: {  	[tilespmem:s15], [sflag:$0x1] =	stream.strided.gather @!p1 [hbm4b:s14+s16], $0x2000, s17, s16, $0x38;
	[tilespmem:$0x8080] =	vst v63  }
0x27: {  	p1 =	sge.u32 s31, s5  }
.Ltmp2:
0x28: {  	_ = 	snop;
	(pc) =	sbr.rel @p1 .LBB1_5-.Ltmp2, $1  }
0x29: {  	_ =	sdelay $0x3  }
0x2a: {  	s14 =	simm.s32 $0x1  }
0x2b: {  	_ =	swait.ge [sflag:s4], $0x2000;
	s14 =	simm.s32 @!p0 $0x0  }
0x2c: {  	[sflag:s4] =	ssyncset.done $0x0;
	s15 =	sshll.u32 s14, $0xD  }
0x2d: {  	[sflag:s4] =	ssyncadd.s32 $0xFFFFE000;
	s18 =	sor.u32 $0x20, s15  }
0x2e: {  	s14 =	smul.u32 $0x8100, s14;
	v3 =	vld [tilespmem:s18+$0x10]  }
0x2f: {  	s30 =	sand.u32 $0x1, s11;
	v2 =	vld [tilespmem:s18+$0xFFFFFFF0]  }
0x30: {  	s15 =	smul.u32 $0x8100, s30;
	s14 =	sshrl.u32 s14, $0x2;
	v0 =	vld [tilespmem:s18+$0x0]  }
0x31: {  	v1 =	vld [tilespmem:s18+$0xFFFFFFE0];
	s16 =	sor.u32 $0x4000, s14  }
0x32: {  	s31 =	sshrl.u32 s15, $0x2;
	s15 =	sadd.s32 $0x0, s16  }
0x33: {  	s17 =	simm.s32 $0x4;
	s18 =	sadd.s32 $0x40, s18;
	s14 =	sor.u32 $0x4000, s31;
	[tilespmem:s15+$0x1830 ss:$0x81] =	vst.msk $0xffff, v3  }
.LBB1_3:
0x34: {  	v3 =	vld [tilespmem:s18+$0x10];
	p1 =	sne.s32 s17, $0x1FC;
	[tilespmem:s15+$0x810 ss:$0x81] =	vst.msk $0xffff, v2;
	s19 =	smov.u32 s17;
	s17 =	sadd.s32 $0x4, s17  }
.Ltmp3:
0x35: {  	v2 =	vld [tilespmem:s18+$0xFFFFFFF0];
	[tilespmem:s15+$0x1020 ss:$0x81] =	vst.msk $0xffff, v0;
	(pc) =	sbr.rel @p1 .LBB1_3-.Ltmp3, $4  }
0x36: {  	v0 =	vld [tilespmem:s18+$0x0];
	[tilespmem:s15+$0x0 ss:$0x81] =	vst.msk $0xffff, v1  }
0x37: {  	s15 =	sshra.s32 s19, $0x2;
	v1 =	vld [tilespmem:s18+$0xFFFFFFE0]  }
0x38: {  	s15 =	sadd.s32 s15, s16  }
0x39: {  	s18 =	sadd.s32 $0x40, s18;
	[tilespmem:s15+$0x1830 ss:$0x81] =	vst.msk $0xffff, v3  }
.Ltmp4:
0x3a: {  	_ = 	snop;
	(pc) =	sbr.rel .LBB1_4-.Ltmp4, $1  }
0x3b: {  	_ =	sdelay $0x3  }
.LBB1_6:
0x3c: {  	_ =	sfence.sel $0x180000  }
0x3d: {  	s2 =	simm.s32 $0x1;
	[bflag:$0x0] =	sbarrier.arrive $0xFFFF  }
0x3e: {  	s31 =	simm.s32 $0x2;
	[sflag:s2] =	ssyncpa.u1 $0x1  }
0x3f: {  	[sflag:s31] =	ssyncpa.u1 $0x1  }
0x40: {  	p0 =	sne.s32 s0, $0x0;
	_ =	strace $0x9000004D  }
0x41: {  	s0 =	sadd.s32 @!p0 $0x100000, s1;
	[bflag:$0x2] =	sbarrier.arrive $0xFFFF  }
0x42: {  	[sflag:s0] =	ssyncadd.tile.s32 @!p0 $0x1;
	_ =	shalt  }
.Lfunc_end1:
_tile_overlayer_lowered:
.L_overlay_start_2:
0x43: {  	(tag) =	ssettag $0x2  }
0x44: {  	s0 =	rddreg [dreg:$0x0];
	s2 =	stileid.u32  }
0x45: {  	s1 =	rddreg [dreg:$0x1];
	p0 =	sne.s32 s2, $0x0  }
0x46: {  	s3 =	rddreg [dreg:$0x2];
	[bflag:$0x3] =	sbarrier.arrive $0xFFFF;
	s2 =	simm.s32 @!p0 $0x1C01  }
0x47: {  	[timem:s3], [sflag:s2] =	dma.local @!p0 [hbm:s0], s1  }
0x48: {  	s0 =	simm.s32 @!p0 $0x1  }
0x49: {  	_ =	swait.ge @!p0 [sflag:s0], s1  }
0x4a: {  	s1 =	ssub.s32 @!p0 $0x0, s1;
	[sflag:s0] =	ssyncset.done @!p0 $0x0  }
0x4b: {  	[sflag:s0] =	ssyncadd.s32 @!p0 s1  }
0x4c: {  	[bflag:$0x3] =	sbarrier.arrive $0xFFFF  }
0x4d: {  	_ =	shalt  }

// kernel: sparse-core-data-format-call.cloned.1.call-start
scs
called_computation_lowered:
.L_overlay_start_0:
0x0: {  	s2 =	sld [smem:$0x3FD9]  }
0x1: {  	s3 =	sld [smem:$0x3FFE];
	_ =	sdelay $0x1  }
0x2: {  	s1 =	srdreg.scid  }
0x3: {  	s0 =	sand.u32 $0x1, s1  }
0x4: {  	s15 =	sshll.u32 s0, $0xA;
	s2 =	sadd.s32 s3, s2  }
0x5: {  	s2 =	sadd.s32 s2, s15  }
0x6: {  	[smem:$0x3FC4] =	sst s2  }
0x7: {  	_ = 	snop  }
0x8: {  	s2 =	sld [smem:$0x3FD0];
	_ =	sdelay $0x2  }
0x9: {  	s16 =	simm.s32 $0xB;
	s4 =	simm.s32 $0x10  }
0xa: {  	[smem:s4], [sflag:s16] =	dma.local [hbm:s2], $0x1  }
0xb: {  	_ =	swait.eq [sflag:s16], $0x1  }
0xc: {  	[sflag:s16] =	ssyncset.done $0x0  }
0xd: {  	[sflag:s16] =	ssyncadd.s32 $0xFFFFFFFF  }
0xe: {  	s17 =	sld [smem:$0x11];
	(tm) =	ssettm $0x1  }
0xf: {  	s18 =	sld [smem:$0x3FFB];
	_ =	sdelay $0x3  }
0x10: {  	_ =	strace s18  }
0x11: {  	s3 =	sld [smem:$0x3FFC];
	_ =	sdelay $0x3  }
0x12: {  	_ =	strace s3  }
0x13: {  	s3 =	sld [smem:$0x3FFD];
	_ =	sdelay $0x3  }
0x14: {  	_ =	strace s3  }
0x15: {  	_ =	strace $0x8FFFFFFF  }
0x16: {  	s19 =	sld [smem:$0x3FDB];
	_ =	sdelay $0x1  }
0x17: {  	s20 =	simm.s32 $_scs_section_size  }
0x18: {  	s5 =	simm.s32 $_size__tile_overlayer_lowered;
	s6 =	simm.s32 $_tile_overlayer_lowered  }
0x19: {  	s23 =	simm.s32 $0x1BFF;
	s22 =	sshll.u32 s6, $0x1;
	s3 =	sadd.s32 s20, s19  }
0x1a: {  	s7 =	simm.s32 $0x0;
	s21 =	sshll.u32 s5, $0x1;
	s5 =	sadd.s32 s22, s3  }
0x1b: {  	[timem:s7], [sflag:s23] =	dma.local [hbm:s5], s21  }
0x1c: {  	_ =	swait.ge [sflag:s23], s21  }
0x1d: {  	s4 =	ssub.s32 $0x0, s21;
	[sflag:s23] =	ssyncset.done $0x0  }
0x1e: {  	[sflag:s23] =	ssyncadd.s32 s4;
	_ =	sdelay $0x1  }
0x1f: {  	s24 =	simm.s32 $0x1B8B  }
0x20: {  	_ =	swait.ge [sflag:s24], $0x1  }
0x21: {  	[sflag:s24] =	ssyncset.done $0x0  }
0x22: {  	s26 =	simm.s32 $0x1B8E;
	s25 =	sld [smem:$0x3FFE];
	[sflag:s24] =	ssyncadd.s32 $0xFFFFFFFF  }
0x23: {  	s27 =	simm.s32 $execute0_lowered;
	[smem:$0x3FD2] =	sst s26  }
0x24: {  	s5 =	sshll.u32 s27, $0x1;
	_ =	strace $0x80000049;
	[dreg:$0x1] =	wrdreg $0xFFFFFFFF  }
0x25: {  	s28 =	simm.s32 $_size_execute0_lowered;
	s3 =	sadd.s32 s3, s5;
	[dreg:$0x0] =	wrdreg $0x0  }
0x26: {  	s5 =	sshll.u32 s28, $0x1;
	[dreg:$0x2] =	wrdreg s3  }
0x27: {  	[dreg:$0x3] =	wrdreg s5  }
0x28: {  	[dreg:$0x4] =	wrdreg $0xC0  }
0x29: {  	_ =	task [dreg:s7], $0x5FFFF  }
0x2a: {  	[dreg:$0x1] =	wrdreg $0xFFFFFFFF  }
0x2b: {  	[dreg:$0x0] =	wrdreg $0x60  }
0x2c: {  	[dreg:$0x2] =	wrdreg s25  }
0x2d: {  	[dreg:$0x3] =	wrdreg s17  }
0x2e: {  	[dreg:$0x4] =	wrdreg $0x9  }
0x2f: {  	_ =	task.clear_ibuf [dreg:s7], $0x5FFFF;
	_ =	strace $0x90000049  }
0x30: {  	s29 =	simm.s32 $0x9;
	_ =	strace $0x8000004B  }
0x31: {  	_ =	swait.ge [sflag:s29], $0x1  }
0x32: {  	[sflag:s29] =	ssyncadd.s32 $0xFFFFFFFF  }
0x33: {  	_ =	strace $0x9000004B  }
0x34: {  	_ =	sfence  }
0x35: {  	s30 =	sld [smem:$0x0];
	_ =	sdelay $0x2  }
0x36: {  	s31 =	sshll.u32 s1, $0xD;
	s1 =	sshrl.u32 s1, $0x2  }
0x37: {  	s3 =	sand.u32 $0x4000, s31;
	s1 =	sadd.s32 s1, s30  }
0x38: {  	s0 =	sor.u32 s3, s0;
	s1 =	sshll.u32 s1, $0x11  }
0x39: {  	s0 =	sor.u32 s1, s0  }
0x3a: {  	s0 =	sadd.s32 $0x8F2B, s0  }
0x3b: {  	[sflag:s0] =	ssyncadd.remote.s32 $0x1  }
0x3c: {  	_ =	sfence.sel $0xFFFF  }
0x3d: {  	[dreg:$0x0] =	wrdreg $0xFFFFFFFF;
	(pc) =	sbr.abs _section_cstart, $3  }
0x3e: {  	[dreg:$0x1] =	wrdreg $0xFFFFFFFF  }
0x3f: {  	_ =	task.clear_ibuf [dreg:s7], $0x2FFFF;
	_ =	strace $0x9FFFFFFF  }
0x40: {  	(tm) =	ssettm $0x7FFFFFFF  }
0x41: {  	_ =	shalt  }
tec
execute0_lowered:
.L_overlay_start_1:
0x0: {  	(tag) =	ssettag $0x1  }
0x1: {  	s0 =	srdreg.scid  }
0x2: {  	s1 =	sshll.u32 s0, $0x4  }
0x3: {  	s0 =	stileid.u32;
	s1 =	sand.u32 $0x10, s1  }
0x4: {  	s1 =	sor.u32 s0, s1  }
0x5: {  	s6 =	rddreg [dreg:$0x0];
	s4 =	simm.s32 $0x1;
	s2 =	sshll.u32 s1, $0x7  }
0x6: {  	s7 =	simm.s32 $0x2;
	s12 =	simm.s32 $0x0;
	s1 =	ssub.s32 $0x1000, s2  }
0x7: {  	s8 =	simm.s32 $0x8000;
	s13 =	simm.s32 $0x0;
	s3 =	sand.u32 $0xF80, s1  }
0x8: {  	s9 =	simm.s32 $0x0;
	s5 =	sshrl.u32 s1, $0xC;
	p0 =	sne.s32 s3, $0x0  }
.Ltmp0:
0x9: {  	s1 =	rddreg [dreg:$0x2];
	s4 =	simm.s32 @!p0 $0x0;
	(pc) =	sbr.rel .LBB1_1-.Ltmp0, $4  }
0xa: {  	s11 =	simm.s32 $0x0;
	s3 =	rddreg [dreg:$0x1];
	s5 =	sadd.s32 s4, s5  }
0xb: {  	_ =	strace $0x8000004A;
	s4 =	simm.s32 $0x1;
	s5 =	smul.u32 $0x32, s5  }
0xc: {  	s6 =	sadd.s32 $0x2C00, s6;
	s10 =	smov.u32 s2;
	[sflag:s4] =	ssyncpa.u1 $0x0  }
0xd: {  	p0 =	por $0x0, $0x0;
	[sflag:s7] =	ssyncpa.u1 $0x0;
	s7 =	sor.u32 $0x1, s5  }
.LBB1_4:
0xe: {  	s16 =	sshll.u32 s13, $0x3;
	s17 =	sand.u32 $0x78, s13  }
0xf: {  	s30 =	sand.u32 $0x7E00, s13;
	s12 =	sshll.u32 s12, $0xF;
	s16 =	sand.u32 $0xC00, s16  }
0x10: {  	[tilespmem:s15+$0x810 ss:$0x81] =	vst.msk $0xffff, v2;
	s31 =	sand.u32 $0x7, s13;
	s16 =	sor.u32 s17, s16;
	s17 =	sadd.s32 s3, s30  }
0x11: {  	[tilespmem:s15+$0x1020 ss:$0x81] =	vst.msk $0xffff, v0;
	s13 =	sshll.u32 s31, $0x12;
	s12 =	sadd.s32 s12, s17;
	s16 =	sshrl.u32 s16, $0x3  }
0x12: {  	[tilespmem:s15+$0x0 ss:$0x81] =	vst.msk $0xffff, v1;
	s13 =	sor.u32 $0x400, s13;
	s12 =	sadd.s32 s16, s12  }
0x13: {  	[hbm4b:s12+s13] =	stream.strided.scatter [tilespmem:s14], [sflag:$0x2], $0x2000, s8, s13, $0x20;
	[tilespmem:$0x8080] =	vst v63  }
.LBB1_5:
0x14: {  	s14 =	sadd.s32 $0x1, s9  }
0x15: {  	s12 =	sadd.s32 $0x1000, s10;
	s16 =	smov.u32 s10;
	p2 =	sgt.s32 s14, $0x31  }
0x16: {  	s16 =	smov.u32 @p2 s12  }
0x17: {  	s14 =	simm.s32 @p2 $0x0;
	p2 =	sgt.s32 s16, $0xFFF  }
0x18: {  	s16 =	smov.u32 @p2 s2;
	p2 =	sne.s32 s11, s7  }
.Ltmp1:
0x19: {  	p1 =	slt.u32 s11, $0x2;
	(pc) =	sbr.rel @!p2 .LBB1_6-.Ltmp1, $4  }
0x1a: {  	s15 =	simm.s32 @!p1 $0x2  }
0x1b: {  	s13 =	smov.u32 s10;
	p0 =	por !p0, !p0;
	_ =	swait.ge @!p1 [sflag:s15], $0x2000  }
0x1c: {  	s12 =	smov.u32 s9;
	[sflag:s15] =	ssyncset.done @!p1 $0x0;
	s9 =	smov.u32 s14  }
0x1d: {  	s11 =	sadd.s32 $0x1, s11;
	[sflag:s15] =	ssyncadd.s32 @!p1 $0xFFFFE000;
	s10 =	smov.u32 s16  }
.LBB1_1:
0x1e: {  	p1 =	sge.u32 s11, s5  }
0x1f: {  	s14 =	sand.u32 @!p1 $0x1FFFFFF, s9  }
0x20: {  	s15 =	smulhi.u32 @!p1 $0x4924925, s14;
	_ =	sdelay $0x1  }
0x21: {  	s15 =	smul.u32 @!p1 $0x38, s15  }
0x22: {  	s16 =	sxor.u32 @!p1 $0xFFFFFFFF, s11;
	s17 =	smul.u32 @!p1 $0x380, s10  }
0x23: {  	s31 =	sadd.s32 $0xFFFFFFFF, s11;
	s16 =	sshll.u32 @!p1 s16, $0xD;
	s14 =	ssub.s32 @!p1 s14, s15  }
0x24: {  	s15 =	sand.u32 @!p1 $0x2000, s16;
	s16 =	sadd.s32 @!p1 s6, s17;
	s14 =	sshll.u32 @!p1 s14, $0x4  }
0x25: {  	s17 =	simm.s32 @!p1 $0x1C00;
	s14 =	sadd.s32 @!p1 s14, s16;
	s16 =	simm.s32 @!p1 $0x40  }
0x26: {  	[tilespmem:s15], [sflag:$0x1] =	stream.strided.gather @!p1 [hbm4b:s14+s16], $0x2000, s17, s16, $0x38;
	[tilespmem:$0x8080] =	vst v63  }
0x27: {  	p1 =	sge.u32 s31, s5  }
.Ltmp2:
0x28: {  	_ = 	snop;
	(pc) =	sbr.rel @p1 .LBB1_5-.Ltmp2, $1  }
0x29: {  	_ =	sdelay $0x3  }
0x2a: {  	s14 =	simm.s32 $0x1  }
0x2b: {  	_ =	swait.ge [sflag:s4], $0x2000;
	s14 =	simm.s32 @!p0 $0x0  }
0x2c: {  	[sflag:s4] =	ssyncset.done $0x0;
	s15 =	sshll.u32 s14, $0xD  }
0x2d: {  	[sflag:s4] =	ssyncadd.s32 $0xFFFFE000;
	s18 =	sor.u32 $0x20, s15  }
0x2e: {  	s14 =	smul.u32 $0x8100, s14;
	v3 =	vld [tilespmem:s18+$0x10]  }
0x2f: {  	s30 =	sand.u32 $0x1, s11;
	v2 =	vld [tilespmem:s18+$0xFFFFFFF0]  }
0x30: {  	s15 =	smul.u32 $0x8100, s30;
	s14 =	sshrl.u32 s14, $0x2;
	v0 =	vld [tilespmem:s18+$0x0]  }
0x31: {  	v1 =	vld [tilespmem:s18+$0xFFFFFFE0];
	s16 =	sor.u32 $0x4000, s14  }
0x32: {  	s31 =	sshrl.u32 s15, $0x2;
	s15 =	sadd.s32 $0x0, s16  }
0x33: {  	s17 =	simm.s32 $0x4;
	s18 =	sadd.s32 $0x40, s18;
	s14 =	sor.u32 $0x4000, s31;
	[tilespmem:s15+$0x1830 ss:$0x81] =	vst.msk $0xffff, v3  }
.LBB1_3:
0x34: {  	v3 =	vld [tilespmem:s18+$0x10];
	p1 =	sne.s32 s17, $0x1FC;
	[tilespmem:s15+$0x810 ss:$0x81] =	vst.msk $0xffff, v2;
	s19 =	smov.u32 s17;
	s17 =	sadd.s32 $0x4, s17  }
.Ltmp3:
0x35: {  	v2 =	vld [tilespmem:s18+$0xFFFFFFF0];
	[tilespmem:s15+$0x1020 ss:$0x81] =	vst.msk $0xffff, v0;
	(pc) =	sbr.rel @p1 .LBB1_3-.Ltmp3, $4  }
0x36: {  	v0 =	vld [tilespmem:s18+$0x0];
	[tilespmem:s15+$0x0 ss:$0x81] =	vst.msk $0xffff, v1  }
0x37: {  	s15 =	sshra.s32 s19, $0x2;
	v1 =	vld [tilespmem:s18+$0xFFFFFFE0]  }
0x38: {  	s15 =	sadd.s32 s15, s16  }
0x39: {  	s18 =	sadd.s32 $0x40, s18;
	[tilespmem:s15+$0x1830 ss:$0x81] =	vst.msk $0xffff, v3  }
.Ltmp4:
0x3a: {  	_ = 	snop;
	(pc) =	sbr.rel .LBB1_4-.Ltmp4, $1  }
0x3b: {  	_ =	sdelay $0x3  }
.LBB1_6:
0x3c: {  	_ =	sfence.sel $0x180000  }
0x3d: {  	s2 =	simm.s32 $0x1;
	[bflag:$0x0] =	sbarrier.arrive $0xFFFF  }
0x3e: {  	s31 =	simm.s32 $0x2;
	[sflag:s2] =	ssyncpa.u1 $0x1  }
0x3f: {  	[sflag:s31] =	ssyncpa.u1 $0x1  }
0x40: {  	p0 =	sne.s32 s0, $0x0;
	_ =	strace $0x9000004A  }
0x41: {  	s0 =	sadd.s32 @!p0 $0x100000, s1;
	[bflag:$0x2] =	sbarrier.arrive $0xFFFF  }
0x42: {  	[sflag:s0] =	ssyncadd.tile.s32 @!p0 $0x1;
	_ =	shalt  }
.Lfunc_end1:
_tile_overlayer_lowered:
.L_overlay_start_2:
0x43: {  	(tag) =	ssettag $0x2  }
0x44: {  	s0 =	rddreg [dreg:$0x0];
	s2 =	stileid.u32  }
0x45: {  	s1 =	rddreg [dreg:$0x1];
	p0 =	sne.s32 s2, $0x0  }
0x46: {  	s3 =	rddreg [dreg:$0x2];
	[bflag:$0x3] =	sbarrier.arrive $0xFFFF;
	s2 =	simm.s32 @!p0 $0x1C01  }
0x47: {  	[timem:s3], [sflag:s2] =	dma.local @!p0 [hbm:s0], s1  }
0x48: {  	s0 =	simm.s32 @!p0 $0x1  }
0x49: {  	_ =	swait.ge @!p0 [sflag:s0], s1  }
0x4a: {  	s1 =	ssub.s32 @!p0 $0x0, s1;
	[sflag:s0] =	ssyncset.done @!p0 $0x0  }
0x4b: {  	[sflag:s0] =	ssyncadd.s32 @!p0 s1  }
0x4c: {  	[bflag:$0x3] =	sbarrier.arrive $0xFFFF  }
0x4d: {  	_ =	shalt  }

</sc_bundles>
